<compile_context>
chip_gen: v7x
topology: tpu7x:2x2x1
jax: 0.10.2.dev20260603
libtpu: 0.0.44.dev20260713+nightly
codegen_flags: <defaults>
</compile_context>

<pallas_src>
import functools

import jax
import jax.numpy as jnp
from jax import lax
from jax.experimental import pallas as pl
from jax.experimental.pallas import tpu as pltpu
from jax.experimental.pallas import tpu_sc as plsc

VOCAB = 256
D = 512
XR = 4096
S = 50
K = 3072
RB = 16

B_SC = (XR - K) * S

_info = plsc.get_sparse_core_info()
NC, NS = _info.num_cores, _info.num_subcores
NW = NC * NS
B_PER_W = B_SC // NW
CHUNK = 80
NCHUNKS = B_PER_W // CHUNK


def _sc_body(idx_hbm, table_hbm, out_hbm, idx_v, buf_v, sem0, sem1):
    wid = lax.axis_index("s") * NC + lax.axis_index("c")
    base = wid * B_PER_W
    pltpu.sync_copy(idx_hbm.at[pl.ds(base, B_PER_W)], idx_v)
    sems = [sem0, sem1]

    def gather_start(i, b):
        pltpu.make_async_copy(
            table_hbm.at[idx_v.at[pl.ds(i * CHUNK, CHUNK)]], buf_v.at[b], sems[b]
        ).start()

    def gather_wait(b):
        pltpu.make_async_copy(
            table_hbm.at[idx_v.at[pl.ds(0, CHUNK)]], buf_v.at[b], sems[b]
        ).wait()

    gather_start(0, 0)
    gather_start(1, 1)

    def pair_body(g, carry):
        for b in range(2):
            i = g * 2 + b
            gather_wait(b)
            pltpu.sync_copy(buf_v.at[b], out_hbm.at[pl.ds(base + i * CHUNK, CHUNK)])

            @pl.when(i + 2 < NCHUNKS)
            def _():
                gather_start(i + 2, b)

        return carry

    lax.fori_loop(0, NCHUNKS // 2, pair_body, 0)


def _sc_lookup(idx, table):
    mesh = plsc.VectorSubcoreMesh(core_axis_name="c", subcore_axis_name="s")
    run = functools.partial(
        pl.kernel,
        out_type=jax.ShapeDtypeStruct((B_SC, D), jnp.float32),
        mesh=mesh,
        scratch_types=[
            pltpu.VMEM((B_PER_W,), jnp.int32),
            pltpu.VMEM((2, CHUNK, D), jnp.float32),
            pltpu.SemaphoreType.DMA,
            pltpu.SemaphoreType.DMA,
        ],
        compiler_params=pltpu.CompilerParams(use_tc_tiling_on_sc=True),
    )(_sc_body)
    return run(idx, table)


def _tc_body(x_ref, t_ref, o_ref):
    t = t_ref[...]
    for j in range(RB):
        row = x_ref[j]
        oh = (row[:, None] == lax.broadcasted_iota(jnp.int32, (S, VOCAB), 1)).astype(
            jnp.float32
        )
        o_ref[j] = jnp.dot(oh, t, preferred_element_type=jnp.float32)


def _tc_lookup(x, table):
    return pl.pallas_call(
        _tc_body,
        grid=(K // RB,),
        in_specs=[
            pl.BlockSpec((RB, S), lambda i: (i, 0)),
            pl.BlockSpec((VOCAB, D), lambda i: (0, 0)),
        ],
        out_specs=pl.BlockSpec((RB, S, D), lambda i: (i, 0, 0)),
        out_shape=jax.ShapeDtypeStruct((K, S, D), jnp.float32),
    )(x, table)


@jax.jit
def _lookup(x, table):
    sc_flat = _sc_lookup(x[K:].reshape(-1), table)
    out_tc = _tc_lookup(x[:K], table)
    return jnp.concatenate([out_tc, sc_flat.reshape(XR - K, S, D)], axis=0)


def kernel(x, embedding):
    return _lookup(x.astype(jnp.int32), embedding)

# --- scband reference (transcript-rebuilt; emitter-appended) ---
"""Pipeline reference for scband-our-simple-model-81965155877612 (READ-ONLY COPY).

The authoritative reference and input builder live on the scoring server;
editing this copy changes nothing except your own understanding.
"""

import jax, jax.numpy as jnp
import numpy as np

VOCAB_DIM = 256
EMBED_DIM = 512

def setup_inputs(seed: int = 0) -> dict:
    key = jax.random.key(seed)
    k_idx, k_emb = jax.random.split(key)
    x = jax.random.randint(k_idx, (4096, 50), 0, VOCAB_DIM, dtype=jnp.int32).astype(jnp.int64)
    embedding = jax.random.normal(k_emb, (VOCAB_DIM, EMBED_DIM), dtype=jnp.float32) * 1.0
    return {"x": x, "embedding": embedding}

def reference(x, embedding):
    # Faithful translation of: x = embedding[x]
    return jnp.take(embedding, x, axis=0)

if __name__ == "__main__":
    import jax
    _d = setup_inputs()
    print(jax.jit(kernel)(*tuple(_d.values())))

</pallas_src>

<mosaic_0001>
#map = affine_map<(d0, d1) -> (0)>
#map1 = affine_map<(d0, d1) -> (0, 0)>
module attributes {stable_mosaic.version = 14 : i64} {
  func.func @_sc_body(%arg0: i32, %arg1: i32, %arg2: memref<51200xi32, #tpu.memory_space<hbm>>, %arg3: memref<256x512xf32, #tpu.memory_space<hbm>>, %arg4: memref<51200x512xf32, #tpu.memory_space<hbm>>, %arg5: memref<1600xi32, #tpu.memory_space<vmem>>, %arg6: memref<2x80x512xf32, #tpu.memory_space<vmem>>, %arg7: memref<!tpu.dma_semaphore, #tpu.memory_space<semaphore_mem>>, %arg8: memref<!tpu.dma_semaphore, #tpu.memory_space<semaphore_mem>>) attributes {dimension_semantics = [#tpu.dimension_semantics<core_parallel>, #tpu.dimension_semantics<subcore_parallel>], iteration_bounds = array<i64: 2, 16>, scalar_prefetch = 0 : i64, scratch_operands = 4 : i64, tpu.core_type = #tpu.core_type<sc_vector_subcore>, window_params = [{transform_indices = #map}, {transform_indices = #map1}, {transform_indices = #map1}]} {
    %mul3A = arith.constant 2 : i32
    %mul3A_0 = arith.muli %arg1, %mul3A : i32
    %add3A = arith.addi %mul3A_0, %arg0 : i32
    %mul3A_1 = arith.constant 1600 : i32
    %mul3A_2 = arith.muli %add3A, %mul3A_1 : i32
    "tpu.region"() ({
      %run_scoped3A = tpu.sem_alloc : memref<!tpu.dma_semaphore, #tpu.memory_space<semaphore_mem>>
      %dma_start3A_27 = tpu.memref_slice %arg2[%mul3A_2] : memref<51200xi32, #tpu.memory_space<hbm>> -> memref<1600xi32, #tpu.memory_space<hbm>>
      %dma_start3A_28 = tpu.memref_slice %arg2[%mul3A_2] : memref<51200xi32, #tpu.memory_space<hbm>> -> memref<1600xi32, #tpu.memory_space<hbm>>
      tpu.enqueue_dma source(%dma_start3A_28 : memref<1600xi32, #tpu.memory_space<hbm>>) target(%arg5 : memref<1600xi32, #tpu.memory_space<vmem>>) target_semaphore(%run_scoped3A : memref<!tpu.dma_semaphore, #tpu.memory_space<semaphore_mem>>)
      %dma_wait3A = tpu.memref_slice %arg2[%mul3A_2] : memref<51200xi32, #tpu.memory_space<hbm>> -> memref<1600xi32, #tpu.memory_space<hbm>>
      %dma_wait3A_29 = tpu.memref_slice %arg2[%mul3A_2] : memref<51200xi32, #tpu.memory_space<hbm>> -> memref<1600xi32, #tpu.memory_space<hbm>>
      tpu.wait_dma2 semaphore(%run_scoped3A : memref<!tpu.dma_semaphore, #tpu.memory_space<semaphore_mem>>) src(%dma_wait3A_29 : memref<1600xi32, #tpu.memory_space<hbm>>) dst(%arg5 : memref<1600xi32, #tpu.memory_space<vmem>>)
      tpu.yield
    }) : () -> ()
    %dma_start3A = arith.constant 0 : i32
    %dma_start3A_3 = arith.constant 0 : i32
    %dma_start3A_4 = arith.constant 0 : i32
    %dma_start3A_5 = tpu.memref_slice %arg6[%dma_start3A, %dma_start3A_3, %dma_start3A_4] : memref<2x80x512xf32, #tpu.memory_space<vmem>> -> memref<1x80x512xf32, #tpu.memory_space<vmem>>
    %dma_start3A_6 = tpu.memref_squeeze %dma_start3A_5 : memref<1x80x512xf32, #tpu.memory_space<vmem>> -> memref<80x512xf32, #tpu.memory_space<vmem>>
    %dma_start3A_7 = arith.constant 0 : i32
    %dma_start3A_8 = tpu.memref_slice %arg5[%dma_start3A_7] : memref<1600xi32, #tpu.memory_space<vmem>> -> memref<80xi32, #tpu.memory_space<vmem>>
    %dma_start3A_9 = arith.constant 0 : i32
    %dma_start3A_10 = arith.constant 0 : i32
    %dma_start3A_11 = tpu.memref_slice %arg3[%dma_start3A_9, %dma_start3A_10] : memref<256x512xf32, #tpu.memory_space<hbm>> -> memref<256x512xf32, #tpu.memory_space<hbm>>
    tpu.enqueue_indirect_dma source(%dma_start3A_11 : memref<256x512xf32, #tpu.memory_space<hbm>>) target(%dma_start3A_6 : memref<80x512xf32, #tpu.memory_space<vmem>>) offsets(%dma_start3A_8 : memref<80xi32, #tpu.memory_space<vmem>>) semaphore(%arg7 : memref<!tpu.dma_semaphore, #tpu.memory_space<semaphore_mem>>)
    %dma_start3A_12 = arith.constant 1 : i32
    %dma_start3A_13 = arith.constant 0 : i32
    %dma_start3A_14 = arith.constant 0 : i32
    %dma_start3A_15 = tpu.memref_slice %arg6[%dma_start3A_12, %dma_start3A_13, %dma_start3A_14] : memref<2x80x512xf32, #tpu.memory_space<vmem>> -> memref<1x80x512xf32, #tpu.memory_space<vmem>>
    %dma_start3A_16 = tpu.memref_squeeze %dma_start3A_15 : memref<1x80x512xf32, #tpu.memory_space<vmem>> -> memref<80x512xf32, #tpu.memory_space<vmem>>
    %dma_start3A_17 = arith.constant 80 : i32
    %dma_start3A_18 = tpu.memref_slice %arg5[%dma_start3A_17] : memref<1600xi32, #tpu.memory_space<vmem>> -> memref<80xi32, #tpu.memory_space<vmem>>
    %dma_start3A_19 = arith.constant 0 : i32
    %dma_start3A_20 = arith.constant 0 : i32
    %dma_start3A_21 = tpu.memref_slice %arg3[%dma_start3A_19, %dma_start3A_20] : memref<256x512xf32, #tpu.memory_space<hbm>> -> memref<256x512xf32, #tpu.memory_space<hbm>>
    tpu.enqueue_indirect_dma source(%dma_start3A_21 : memref<256x512xf32, #tpu.memory_space<hbm>>) target(%dma_start3A_16 : memref<80x512xf32, #tpu.memory_space<vmem>>) offsets(%dma_start3A_18 : memref<80xi32, #tpu.memory_space<vmem>>) semaphore(%arg8 : memref<!tpu.dma_semaphore, #tpu.memory_space<semaphore_mem>>)
    %scan3A = arith.constant 0 : i32
    %scan3A_22 = arith.constant 0 : i32
    %scan3A_23 = arith.constant 10 : i32
    %scan3A_24 = arith.addi %scan3A_22, %scan3A_23 : i32
    %scan3A_25 = arith.constant 1 : i32
    scf.for %scan3A_27 = %scan3A_22 to %scan3A_24 step %scan3A_25  : i32 {
      %mul3A_28 = arith.constant 2 : i32
      %mul3A_29 = arith.muli %scan3A_27, %mul3A_28 : i32
      %add3A_30 = arith.constant 0 : i32
      %add3A_31 = arith.addi %mul3A_29, %add3A_30 : i32
      %dma_wait3A = arith.constant 0 : i32
      %dma_wait3A_32 = arith.constant 0 : i32
      %dma_wait3A_33 = arith.constant 0 : i32
      %dma_wait3A_34 = tpu.memref_slice %arg6[%dma_wait3A, %dma_wait3A_32, %dma_wait3A_33] : memref<2x80x512xf32, #tpu.memory_space<vmem>> -> memref<1x80x512xf32, #tpu.memory_space<vmem>>
      %dma_wait3A_35 = tpu.memref_squeeze %dma_wait3A_34 : memref<1x80x512xf32, #tpu.memory_space<vmem>> -> memref<80x512xf32, #tpu.memory_space<vmem>>
      %dma_wait3A_36 = arith.constant 0 : i32
      %dma_wait3A_37 = tpu.memref_slice %arg5[%dma_wait3A_36] : memref<1600xi32, #tpu.memory_space<vmem>> -> memref<80xi32, #tpu.memory_space<vmem>>
      %dma_wait3A_38 = arith.constant 0 : i32
      %dma_wait3A_39 = arith.constant 0 : i32
      %dma_wait3A_40 = tpu.memref_slice %arg3[%dma_wait3A_38, %dma_wait3A_39] : memref<256x512xf32, #tpu.memory_space<hbm>> -> memref<256x512xf32, #tpu.memory_space<hbm>>
      tpu.wait_indirect_dma semaphore(%arg7 : memref<!tpu.dma_semaphore, #tpu.memory_space<semaphore_mem>>) src(%dma_wait3A_40 : memref<256x512xf32, #tpu.memory_space<hbm>>) dst(%dma_wait3A_35 : memref<80x512xf32, #tpu.memory_space<vmem>>)
      %mul3A_41 = arith.constant 80 : i32
      %mul3A_42 = arith.muli %add3A_31, %mul3A_41 : i32
      %add3A_43 = arith.addi %mul3A_2, %mul3A_42 : i32
      %run_scoped3A = arith.constant 0 : i32
      "tpu.region"() ({
        %run_scoped3A_73 = tpu.sem_alloc : memref<!tpu.dma_semaphore, #tpu.memory_space<semaphore_mem>>
        %dma_start3A_74 = arith.constant 0 : i32
        %dma_start3A_75 = arith.constant 0 : i32
        %dma_start3A_76 = tpu.memref_slice %arg6[%run_scoped3A, %dma_start3A_74, %dma_start3A_75] : memref<2x80x512xf32, #tpu.memory_space<vmem>> -> memref<1x80x512xf32, #tpu.memory_space<vmem>>
        %dma_start3A_77 = tpu.memref_squeeze %dma_start3A_76 : memref<1x80x512xf32, #tpu.memory_space<vmem>> -> memref<80x512xf32, #tpu.memory_space<vmem>>
        %dma_start3A_78 = arith.constant 0 : i32
        %dma_start3A_79 = tpu.memref_slice %arg4[%add3A_43, %dma_start3A_78] : memref<51200x512xf32, #tpu.memory_space<hbm>> -> memref<80x512xf32, #tpu.memory_space<hbm>>
        %dma_start3A_80 = arith.constant 0 : i32
        %dma_start3A_81 = tpu.memref_slice %arg4[%add3A_43, %dma_start3A_80] : memref<51200x512xf32, #tpu.memory_space<hbm>> -> memref<80x512xf32, #tpu.memory_space<hbm>>
        %dma_start3A_82 = arith.constant 0 : i32
        %dma_start3A_83 = arith.constant 0 : i32
        %dma_start3A_84 = tpu.memref_slice %arg6[%run_scoped3A, %dma_start3A_82, %dma_start3A_83] : memref<2x80x512xf32, #tpu.memory_space<vmem>> -> memref<1x80x512xf32, #tpu.memory_space<vmem>>
        %dma_start3A_85 = tpu.memref_squeeze %dma_start3A_84 : memref<1x80x512xf32, #tpu.memory_space<vmem>> -> memref<80x512xf32, #tpu.memory_space<vmem>>
        tpu.enqueue_dma source(%dma_start3A_85 : memref<80x512xf32, #tpu.memory_space<vmem>>) target(%dma_start3A_81 : memref<80x512xf32, #tpu.memory_space<hbm>>) target_semaphore(%run_scoped3A_73 : memref<!tpu.dma_semaphore, #tpu.memory_space<semaphore_mem>>)
        %dma_wait3A_86 = arith.constant 0 : i32
        %dma_wait3A_87 = arith.constant 0 : i32
        %dma_wait3A_88 = tpu.memref_slice %arg6[%run_scoped3A, %dma_wait3A_86, %dma_wait3A_87] : memref<2x80x512xf32, #tpu.memory_space<vmem>> -> memref<1x80x512xf32, #tpu.memory_space<vmem>>
        %dma_wait3A_89 = tpu.memref_squeeze %dma_wait3A_88 : memref<1x80x512xf32, #tpu.memory_space<vmem>> -> memref<80x512xf32, #tpu.memory_space<vmem>>
        %dma_wait3A_90 = arith.constant 0 : i32
        %dma_wait3A_91 = tpu.memref_slice %arg4[%add3A_43, %dma_wait3A_90] : memref<51200x512xf32, #tpu.memory_space<hbm>> -> memref<80x512xf32, #tpu.memory_space<hbm>>
        %dma_wait3A_92 = arith.constant 0 : i32
        %dma_wait3A_93 = tpu.memref_slice %arg4[%add3A_43, %dma_wait3A_92] : memref<51200x512xf32, #tpu.memory_space<hbm>> -> memref<80x512xf32, #tpu.memory_space<hbm>>
        %dma_wait3A_94 = arith.constant 0 : i32
        %dma_wait3A_95 = arith.constant 0 : i32
        %dma_wait3A_96 = tpu.memref_slice %arg6[%run_scoped3A, %dma_wait3A_94, %dma_wait3A_95] : memref<2x80x512xf32, #tpu.memory_space<vmem>> -> memref<1x80x512xf32, #tpu.memory_space<vmem>>
        %dma_wait3A_97 = tpu.memref_squeeze %dma_wait3A_96 : memref<1x80x512xf32, #tpu.memory_space<vmem>> -> memref<80x512xf32, #tpu.memory_space<vmem>>
        tpu.wait_dma2 semaphore(%run_scoped3A_73 : memref<!tpu.dma_semaphore, #tpu.memory_space<semaphore_mem>>) src(%dma_wait3A_97 : memref<80x512xf32, #tpu.memory_space<vmem>>) dst(%dma_wait3A_93 : memref<80x512xf32, #tpu.memory_space<hbm>>)
        tpu.yield
      }) : () -> ()
      %add3A_44 = arith.constant 2 : i32
      %add3A_45 = arith.addi %add3A_31, %add3A_44 : i32
      %lt3A = arith.constant 20 : i32
      %lt3A_46 = arith.cmpi slt, %add3A_45, %lt3A : i32
      %convert_element_type3A = arith.extui %lt3A_46 : i1 to i32
      %cond3A = arith.constant 0 : i32
      %cond3A_47 = arith.cmpi ne, %convert_element_type3A, %cond3A : i32
      scf.if %cond3A_47 {
        %add3A_73 = arith.constant 2 : i32
        %add3A_74 = arith.addi %add3A_31, %add3A_73 : i32
        %mul3A_75 = arith.constant 80 : i32
        %mul3A_76 = arith.muli %add3A_74, %mul3A_75 : i32
        %dma_start3A_77 = arith.constant 0 : i32
        %dma_start3A_78 = arith.constant 0 : i32
        %dma_start3A_79 = arith.constant 0 : i32
        %dma_start3A_80 = tpu.memref_slice %arg6[%dma_start3A_77, %dma_start3A_78, %dma_start3A_79] : memref<2x80x512xf32, #tpu.memory_space<vmem>> -> memref<1x80x512xf32, #tpu.memory_space<vmem>>
        %dma_start3A_81 = tpu.memref_squeeze %dma_start3A_80 : memref<1x80x512xf32, #tpu.memory_space<vmem>> -> memref<80x512xf32, #tpu.memory_space<vmem>>
        %dma_start3A_82 = tpu.memref_slice %arg5[%mul3A_76] : memref<1600xi32, #tpu.memory_space<vmem>> -> memref<80xi32, #tpu.memory_space<vmem>>
        %dma_start3A_83 = arith.constant 0 : i32
        %dma_start3A_84 = arith.constant 0 : i32
        %dma_start3A_85 = tpu.memref_slice %arg3[%dma_start3A_83, %dma_start3A_84] : memref<256x512xf32, #tpu.memory_space<hbm>> -> memref<256x512xf32, #tpu.memory_space<hbm>>
        tpu.enqueue_indirect_dma source(%dma_start3A_85 : memref<256x512xf32, #tpu.memory_space<hbm>>) target(%dma_start3A_81 : memref<80x512xf32, #tpu.memory_space<vmem>>) offsets(%dma_start3A_82 : memref<80xi32, #tpu.memory_space<vmem>>) semaphore(%arg7 : memref<!tpu.dma_semaphore, #tpu.memory_space<semaphore_mem>>)
      } else {
      }
      %mul3A_48 = arith.constant 2 : i32
      %mul3A_49 = arith.muli %scan3A_27, %mul3A_48 : i32
      %add3A_50 = arith.constant 1 : i32
      %add3A_51 = arith.addi %mul3A_49, %add3A_50 : i32
      %dma_wait3A_52 = arith.constant 1 : i32
      %dma_wait3A_53 = arith.constant 0 : i32
      %dma_wait3A_54 = arith.constant 0 : i32
      %dma_wait3A_55 = tpu.memref_slice %arg6[%dma_wait3A_52, %dma_wait3A_53, %dma_wait3A_54] : memref<2x80x512xf32, #tpu.memory_space<vmem>> -> memref<1x80x512xf32, #tpu.memory_space<vmem>>
      %dma_wait3A_56 = tpu.memref_squeeze %dma_wait3A_55 : memref<1x80x512xf32, #tpu.memory_space<vmem>> -> memref<80x512xf32, #tpu.memory_space<vmem>>
      %dma_wait3A_57 = arith.constant 0 : i32
      %dma_wait3A_58 = tpu.memref_slice %arg5[%dma_wait3A_57] : memref<1600xi32, #tpu.memory_space<vmem>> -> memref<80xi32, #tpu.memory_space<vmem>>
      %dma_wait3A_59 = arith.constant 0 : i32
      %dma_wait3A_60 = arith.constant 0 : i32
      %dma_wait3A_61 = tpu.memref_slice %arg3[%dma_wait3A_59, %dma_wait3A_60] : memref<256x512xf32, #tpu.memory_space<hbm>> -> memref<256x512xf32, #tpu.memory_space<hbm>>
      tpu.wait_indirect_dma semaphore(%arg8 : memref<!tpu.dma_semaphore, #tpu.memory_space<semaphore_mem>>) src(%dma_wait3A_61 : memref<256x512xf32, #tpu.memory_space<hbm>>) dst(%dma_wait3A_56 : memref<80x512xf32, #tpu.memory_space<vmem>>)
      %mul3A_62 = arith.constant 80 : i32
      %mul3A_63 = arith.muli %add3A_51, %mul3A_62 : i32
      %add3A_64 = arith.addi %mul3A_2, %mul3A_63 : i32
      %run_scoped3A_65 = arith.constant 1 : i32
      "tpu.region"() ({
        %run_scoped3A_73 = tpu.sem_alloc : memref<!tpu.dma_semaphore, #tpu.memory_space<semaphore_mem>>
        %dma_start3A_74 = arith.constant 0 : i32
        %dma_start3A_75 = arith.constant 0 : i32
        %dma_start3A_76 = tpu.memref_slice %arg6[%run_scoped3A_65, %dma_start3A_74, %dma_start3A_75] : memref<2x80x512xf32, #tpu.memory_space<vmem>> -> memref<1x80x512xf32, #tpu.memory_space<vmem>>
        %dma_start3A_77 = tpu.memref_squeeze %dma_start3A_76 : memref<1x80x512xf32, #tpu.memory_space<vmem>> -> memref<80x512xf32, #tpu.memory_space<vmem>>
        %dma_start3A_78 = arith.constant 0 : i32
        %dma_start3A_79 = tpu.memref_slice %arg4[%add3A_64, %dma_start3A_78] : memref<51200x512xf32, #tpu.memory_space<hbm>> -> memref<80x512xf32, #tpu.memory_space<hbm>>
        %dma_start3A_80 = arith.constant 0 : i32
        %dma_start3A_81 = tpu.memref_slice %arg4[%add3A_64, %dma_start3A_80] : memref<51200x512xf32, #tpu.memory_space<hbm>> -> memref<80x512xf32, #tpu.memory_space<hbm>>
        %dma_start3A_82 = arith.constant 0 : i32
        %dma_start3A_83 = arith.constant 0 : i32
        %dma_start3A_84 = tpu.memref_slice %arg6[%run_scoped3A_65, %dma_start3A_82, %dma_start3A_83] : memref<2x80x512xf32, #tpu.memory_space<vmem>> -> memref<1x80x512xf32, #tpu.memory_space<vmem>>
        %dma_start3A_85 = tpu.memref_squeeze %dma_start3A_84 : memref<1x80x512xf32, #tpu.memory_space<vmem>> -> memref<80x512xf32, #tpu.memory_space<vmem>>
        tpu.enqueue_dma source(%dma_start3A_85 : memref<80x512xf32, #tpu.memory_space<vmem>>) target(%dma_start3A_81 : memref<80x512xf32, #tpu.memory_space<hbm>>) target_semaphore(%run_scoped3A_73 : memref<!tpu.dma_semaphore, #tpu.memory_space<semaphore_mem>>)
        %dma_wait3A_86 = arith.constant 0 : i32
        %dma_wait3A_87 = arith.constant 0 : i32
        %dma_wait3A_88 = tpu.memref_slice %arg6[%run_scoped3A_65, %dma_wait3A_86, %dma_wait3A_87] : memref<2x80x512xf32, #tpu.memory_space<vmem>> -> memref<1x80x512xf32, #tpu.memory_space<vmem>>
        %dma_wait3A_89 = tpu.memref_squeeze %dma_wait3A_88 : memref<1x80x512xf32, #tpu.memory_space<vmem>> -> memref<80x512xf32, #tpu.memory_space<vmem>>
        %dma_wait3A_90 = arith.constant 0 : i32
        %dma_wait3A_91 = tpu.memref_slice %arg4[%add3A_64, %dma_wait3A_90] : memref<51200x512xf32, #tpu.memory_space<hbm>> -> memref<80x512xf32, #tpu.memory_space<hbm>>
        %dma_wait3A_92 = arith.constant 0 : i32
        %dma_wait3A_93 = tpu.memref_slice %arg4[%add3A_64, %dma_wait3A_92] : memref<51200x512xf32, #tpu.memory_space<hbm>> -> memref<80x512xf32, #tpu.memory_space<hbm>>
        %dma_wait3A_94 = arith.constant 0 : i32
        %dma_wait3A_95 = arith.constant 0 : i32
        %dma_wait3A_96 = tpu.memref_slice %arg6[%run_scoped3A_65, %dma_wait3A_94, %dma_wait3A_95] : memref<2x80x512xf32, #tpu.memory_space<vmem>> -> memref<1x80x512xf32, #tpu.memory_space<vmem>>
        %dma_wait3A_97 = tpu.memref_squeeze %dma_wait3A_96 : memref<1x80x512xf32, #tpu.memory_space<vmem>> -> memref<80x512xf32, #tpu.memory_space<vmem>>
        tpu.wait_dma2 semaphore(%run_scoped3A_73 : memref<!tpu.dma_semaphore, #tpu.memory_space<semaphore_mem>>) src(%dma_wait3A_97 : memref<80x512xf32, #tpu.memory_space<vmem>>) dst(%dma_wait3A_93 : memref<80x512xf32, #tpu.memory_space<hbm>>)
        tpu.yield
      }) : () -> ()
      %add3A_66 = arith.constant 2 : i32
      %add3A_67 = arith.addi %add3A_51, %add3A_66 : i32
      %lt3A_68 = arith.constant 20 : i32
      %lt3A_69 = arith.cmpi slt, %add3A_67, %lt3A_68 : i32
      %convert_element_type3A_70 = arith.extui %lt3A_69 : i1 to i32
      %cond3A_71 = arith.constant 0 : i32
      %cond3A_72 = arith.cmpi ne, %convert_element_type3A_70, %cond3A_71 : i32
      scf.if %cond3A_72 {
        %add3A_73 = arith.constant 2 : i32
        %add3A_74 = arith.addi %add3A_51, %add3A_73 : i32
        %mul3A_75 = arith.constant 80 : i32
        %mul3A_76 = arith.muli %add3A_74, %mul3A_75 : i32
        %dma_start3A_77 = arith.constant 1 : i32
        %dma_start3A_78 = arith.constant 0 : i32
        %dma_start3A_79 = arith.constant 0 : i32
        %dma_start3A_80 = tpu.memref_slice %arg6[%dma_start3A_77, %dma_start3A_78, %dma_start3A_79] : memref<2x80x512xf32, #tpu.memory_space<vmem>> -> memref<1x80x512xf32, #tpu.memory_space<vmem>>
        %dma_start3A_81 = tpu.memref_squeeze %dma_start3A_80 : memref<1x80x512xf32, #tpu.memory_space<vmem>> -> memref<80x512xf32, #tpu.memory_space<vmem>>
        %dma_start3A_82 = tpu.memref_slice %arg5[%mul3A_76] : memref<1600xi32, #tpu.memory_space<vmem>> -> memref<80xi32, #tpu.memory_space<vmem>>
        %dma_start3A_83 = arith.constant 0 : i32
        %dma_start3A_84 = arith.constant 0 : i32
        %dma_start3A_85 = tpu.memref_slice %arg3[%dma_start3A_83, %dma_start3A_84] : memref<256x512xf32, #tpu.memory_space<hbm>> -> memref<256x512xf32, #tpu.memory_space<hbm>>
        tpu.enqueue_indirect_dma source(%dma_start3A_85 : memref<256x512xf32, #tpu.memory_space<hbm>>) target(%dma_start3A_81 : memref<80x512xf32, #tpu.memory_space<vmem>>) offsets(%dma_start3A_82 : memref<80xi32, #tpu.memory_space<vmem>>) semaphore(%arg8 : memref<!tpu.dma_semaphore, #tpu.memory_space<semaphore_mem>>)
      } else {
      }
    }
    %scan3A_26 = arith.constant 10 : i32
    return
  }
}

module attributes {stable_mosaic.version = 14 : i64} {
  func.func @_tc_body(%arg0: i32, %arg1: memref<16x50xi32, #tpu.memory_space<vmem>>, %arg2: memref<256x512xf32, #tpu.memory_space<vmem>>, %arg3: memref<16x50x512xf32, #tpu.memory_space<vmem>>) attributes {dimension_semantics = [#tpu.dimension_semantics<arbitrary>], iteration_bounds = array<i64: 192>, scalar_prefetch = 0 : i64, scratch_operands = 0 : i64, tpu.core_type = #tpu.core_type<tc>, window_params = [{transform_indices = @transform_0, window_bounds = array<i64: 16, 50>}, {pipeline_mode = #tpu.pipeline_mode<synchronous>, transform_indices = @transform_1, window_bounds = array<i64: 256, 512>}, {transform_indices = @transform_2, window_bounds = array<i64: 16, 50, 512>}]} {
    %get3A = arith.constant 0 : index
    %get3A_0 = arith.constant 0 : index
    %get3A_1 = vector.load %arg2[%get3A, %get3A_0] : memref<256x512xf32, #tpu.memory_space<vmem>>, vector<256x512xf32>
    %get3A_2 = arith.constant 0 : index
    %get3A_3 = arith.constant 0 : index
    %get3A_4 = vector.load %arg1[%get3A_2, %get3A_3] : memref<16x50xi32, #tpu.memory_space<vmem>>, vector<1x50xi32>
    %get3A_5 = vector.shape_cast %get3A_4 : vector<1x50xi32> to vector<50xi32>
    %broadcast_in_dim3A = vector.shape_cast %get3A_5 : vector<50xi32> to vector<50x1xi32>
    %iota3A = tpu.iota {dimensions = array<i32: 1>} : vector<50x256xi32>
    %eq3A = vector.broadcast %broadcast_in_dim3A : vector<50x1xi32> to vector<50x256xi32>
    %eq3A_6 = arith.cmpi eq, %eq3A, %iota3A : vector<50x256xi32>
    %convert_element_type3A = arith.extui %eq3A_6 : vector<50x256xi1> to vector<50x256xi32>
    %convert_element_type3A_7 = arith.sitofp %convert_element_type3A : vector<50x256xi32> to vector<50x256xf32>
    %dot_general3A = arith.constant dense<0.000000e+00> : vector<50x512xf32>
    %dot_general3A_8 = tpu.matmul %convert_element_type3A_7, %get3A_1, %dot_general3A {dimension_numbers = #tpu.dot_dimension_numbers<[1], [0], [0], [1], [0, 0, 1, 1], [], []>, transpose_lhs_hint = false} : vector<50x256xf32>, vector<256x512xf32>, vector<50x512xf32> -> vector<50x512xf32>
    %swap3A = arith.constant 0 : index
    %swap3A_9 = arith.constant 0 : index
    %swap3A_10 = arith.constant 0 : index
    %swap3A_11 = vector.load %arg3[%swap3A, %swap3A_9, %swap3A_10] : memref<16x50x512xf32, #tpu.memory_space<vmem>>, vector<1x50x512xf32>
    %swap3A_12 = vector.shape_cast %swap3A_11 : vector<1x50x512xf32> to vector<50x512xf32>
    %swap3A_13 = vector.shape_cast %dot_general3A_8 : vector<50x512xf32> to vector<1x50x512xf32>
    tpu.vector_store %arg3[%swap3A, %swap3A_9, %swap3A_10], %swap3A_13 {strides = array<i32>} : memref<16x50x512xf32, #tpu.memory_space<vmem>>, vector<1x50x512xf32>,
    %get3A_14 = arith.constant 1 : index
    %get3A_15 = arith.constant 0 : index
    %get3A_16 = vector.load %arg1[%get3A_14, %get3A_15] : memref<16x50xi32, #tpu.memory_space<vmem>>, vector<1x50xi32>
    %get3A_17 = vector.shape_cast %get3A_16 : vector<1x50xi32> to vector<50xi32>
    %broadcast_in_dim3A_18 = vector.shape_cast %get3A_17 : vector<50xi32> to vector<50x1xi32>
    %iota3A_19 = tpu.iota {dimensions = array<i32: 1>} : vector<50x256xi32>
    %eq3A_20 = vector.broadcast %broadcast_in_dim3A_18 : vector<50x1xi32> to vector<50x256xi32>
    %eq3A_21 = arith.cmpi eq, %eq3A_20, %iota3A_19 : vector<50x256xi32>
    %convert_element_type3A_22 = arith.extui %eq3A_21 : vector<50x256xi1> to vector<50x256xi32>
    %convert_element_type3A_23 = arith.sitofp %convert_element_type3A_22 : vector<50x256xi32> to vector<50x256xf32>
    %dot_general3A_24 = arith.constant dense<0.000000e+00> : vector<50x512xf32>
    %dot_general3A_25 = tpu.matmul %convert_element_type3A_23, %get3A_1, %dot_general3A_24 {dimension_numbers = #tpu.dot_dimension_numbers<[1], [0], [0], [1], [0, 0, 1, 1], [], []>, transpose_lhs_hint = false} : vector<50x256xf32>, vector<256x512xf32>, vector<50x512xf32> -> vector<50x512xf32>
    %swap3A_26 = arith.constant 1 : index
    %swap3A_27 = arith.constant 0 : index
    %swap3A_28 = arith.constant 0 : index
    %swap3A_29 = vector.load %arg3[%swap3A_26, %swap3A_27, %swap3A_28] : memref<16x50x512xf32, #tpu.memory_space<vmem>>, vector<1x50x512xf32>
    %swap3A_30 = vector.shape_cast %swap3A_29 : vector<1x50x512xf32> to vector<50x512xf32>
    %swap3A_31 = vector.shape_cast %dot_general3A_25 : vector<50x512xf32> to vector<1x50x512xf32>
    tpu.vector_store %arg3[%swap3A_26, %swap3A_27, %swap3A_28], %swap3A_31 {strides = array<i32>} : memref<16x50x512xf32, #tpu.memory_space<vmem>>, vector<1x50x512xf32>,
    %get3A_32 = arith.constant 2 : index
    %get3A_33 = arith.constant 0 : index
    %get3A_34 = vector.load %arg1[%get3A_32, %get3A_33] : memref<16x50xi32, #tpu.memory_space<vmem>>, vector<1x50xi32>
    %get3A_35 = vector.shape_cast %get3A_34 : vector<1x50xi32> to vector<50xi32>
    %broadcast_in_dim3A_36 = vector.shape_cast %get3A_35 : vector<50xi32> to vector<50x1xi32>
    %iota3A_37 = tpu.iota {dimensions = array<i32: 1>} : vector<50x256xi32>
    %eq3A_38 = vector.broadcast %broadcast_in_dim3A_36 : vector<50x1xi32> to vector<50x256xi32>
    %eq3A_39 = arith.cmpi eq, %eq3A_38, %iota3A_37 : vector<50x256xi32>
    %convert_element_type3A_40 = arith.extui %eq3A_39 : vector<50x256xi1> to vector<50x256xi32>
    %convert_element_type3A_41 = arith.sitofp %convert_element_type3A_40 : vector<50x256xi32> to vector<50x256xf32>
    %dot_general3A_42 = arith.constant dense<0.000000e+00> : vector<50x512xf32>
    %dot_general3A_43 = tpu.matmul %convert_element_type3A_41, %get3A_1, %dot_general3A_42 {dimension_numbers = #tpu.dot_dimension_numbers<[1], [0], [0], [1], [0, 0, 1, 1], [], []>, transpose_lhs_hint = false} : vector<50x256xf32>, vector<256x512xf32>, vector<50x512xf32> -> vector<50x512xf32>
    %swap3A_44 = arith.constant 2 : index
    %swap3A_45 = arith.constant 0 : index
    %swap3A_46 = arith.constant 0 : index
    %swap3A_47 = vector.load %arg3[%swap3A_44, %swap3A_45, %swap3A_46] : memref<16x50x512xf32, #tpu.memory_space<vmem>>, vector<1x50x512xf32>
    %swap3A_48 = vector.shape_cast %swap3A_47 : vector<1x50x512xf32> to vector<50x512xf32>
    %swap3A_49 = vector.shape_cast %dot_general3A_43 : vector<50x512xf32> to vector<1x50x512xf32>
    tpu.vector_store %arg3[%swap3A_44, %swap3A_45, %swap3A_46], %swap3A_49 {strides = array<i32>} : memref<16x50x512xf32, #tpu.memory_space<vmem>>, vector<1x50x512xf32>,
    %get3A_50 = arith.constant 3 : index
    %get3A_51 = arith.constant 0 : index
    %get3A_52 = vector.load %arg1[%get3A_50, %get3A_51] : memref<16x50xi32, #tpu.memory_space<vmem>>, vector<1x50xi32>
    %get3A_53 = vector.shape_cast %get3A_52 : vector<1x50xi32> to vector<50xi32>
    %broadcast_in_dim3A_54 = vector.shape_cast %get3A_53 : vector<50xi32> to vector<50x1xi32>
    %iota3A_55 = tpu.iota {dimensions = array<i32: 1>} : vector<50x256xi32>
    %eq3A_56 = vector.broadcast %broadcast_in_dim3A_54 : vector<50x1xi32> to vector<50x256xi32>
    %eq3A_57 = arith.cmpi eq, %eq3A_56, %iota3A_55 : vector<50x256xi32>
    %convert_element_type3A_58 = arith.extui %eq3A_57 : vector<50x256xi1> to vector<50x256xi32>
    %convert_element_type3A_59 = arith.sitofp %convert_element_type3A_58 : vector<50x256xi32> to vector<50x256xf32>
    %dot_general3A_60 = arith.constant dense<0.000000e+00> : vector<50x512xf32>
    %dot_general3A_61 = tpu.matmul %convert_element_type3A_59, %get3A_1, %dot_general3A_60 {dimension_numbers = #tpu.dot_dimension_numbers<[1], [0], [0], [1], [0, 0, 1, 1], [], []>, transpose_lhs_hint = false} : vector<50x256xf32>, vector<256x512xf32>, vector<50x512xf32> -> vector<50x512xf32>
    %swap3A_62 = arith.constant 3 : index
    %swap3A_63 = arith.constant 0 : index
    %swap3A_64 = arith.constant 0 : index
    %swap3A_65 = vector.load %arg3[%swap3A_62, %swap3A_63, %swap3A_64] : memref<16x50x512xf32, #tpu.memory_space<vmem>>, vector<1x50x512xf32>
    %swap3A_66 = vector.shape_cast %swap3A_65 : vector<1x50x512xf32> to vector<50x512xf32>
    %swap3A_67 = vector.shape_cast %dot_general3A_61 : vector<50x512xf32> to vector<1x50x512xf32>
    tpu.vector_store %arg3[%swap3A_62, %swap3A_63, %swap3A_64], %swap3A_67 {strides = array<i32>} : memref<16x50x512xf32, #tpu.memory_space<vmem>>, vector<1x50x512xf32>,
    %get3A_68 = arith.constant 4 : index
    %get3A_69 = arith.constant 0 : index
    %get3A_70 = vector.load %arg1[%get3A_68, %get3A_69] : memref<16x50xi32, #tpu.memory_space<vmem>>, vector<1x50xi32>
    %get3A_71 = vector.shape_cast %get3A_70 : vector<1x50xi32> to vector<50xi32>
    %broadcast_in_dim3A_72 = vector.shape_cast %get3A_71 : vector<50xi32> to vector<50x1xi32>
    %iota3A_73 = tpu.iota {dimensions = array<i32: 1>} : vector<50x256xi32>
    %eq3A_74 = vector.broadcast %broadcast_in_dim3A_72 : vector<50x1xi32> to vector<50x256xi32>
    %eq3A_75 = arith.cmpi eq, %eq3A_74, %iota3A_73 : vector<50x256xi32>
    %convert_element_type3A_76 = arith.extui %eq3A_75 : vector<50x256xi1> to vector<50x256xi32>
    %convert_element_type3A_77 = arith.sitofp %convert_element_type3A_76 : vector<50x256xi32> to vector<50x256xf32>
    %dot_general3A_78 = arith.constant dense<0.000000e+00> : vector<50x512xf32>
    %dot_general3A_79 = tpu.matmul %convert_element_type3A_77, %get3A_1, %dot_general3A_78 {dimension_numbers = #tpu.dot_dimension_numbers<[1], [0], [0], [1], [0, 0, 1, 1], [], []>, transpose_lhs_hint = false} : vector<50x256xf32>, vector<256x512xf32>, vector<50x512xf32> -> vector<50x512xf32>
    %swap3A_80 = arith.constant 4 : index
    %swap3A_81 = arith.constant 0 : index
    %swap3A_82 = arith.constant 0 : index
    %swap3A_83 = vector.load %arg3[%swap3A_80, %swap3A_81, %swap3A_82] : memref<16x50x512xf32, #tpu.memory_space<vmem>>, vector<1x50x512xf32>
    %swap3A_84 = vector.shape_cast %swap3A_83 : vector<1x50x512xf32> to vector<50x512xf32>
    %swap3A_85 = vector.shape_cast %dot_general3A_79 : vector<50x512xf32> to vector<1x50x512xf32>
    tpu.vector_store %arg3[%swap3A_80, %swap3A_81, %swap3A_82], %swap3A_85 {strides = array<i32>} : memref<16x50x512xf32, #tpu.memory_space<vmem>>, vector<1x50x512xf32>,
    %get3A_86 = arith.constant 5 : index
    %get3A_87 = arith.constant 0 : index
    %get3A_88 = vector.load %arg1[%get3A_86, %get3A_87] : memref<16x50xi32, #tpu.memory_space<vmem>>, vector<1x50xi32>
    %get3A_89 = vector.shape_cast %get3A_88 : vector<1x50xi32> to vector<50xi32>
    %broadcast_in_dim3A_90 = vector.shape_cast %get3A_89 : vector<50xi32> to vector<50x1xi32>
    %iota3A_91 = tpu.iota {dimensions = array<i32: 1>} : vector<50x256xi32>
    %eq3A_92 = vector.broadcast %broadcast_in_dim3A_90 : vector<50x1xi32> to vector<50x256xi32>
    %eq3A_93 = arith.cmpi eq, %eq3A_92, %iota3A_91 : vector<50x256xi32>
    %convert_element_type3A_94 = arith.extui %eq3A_93 : vector<50x256xi1> to vector<50x256xi32>
    %convert_element_type3A_95 = arith.sitofp %convert_element_type3A_94 : vector<50x256xi32> to vector<50x256xf32>
    %dot_general3A_96 = arith.constant dense<0.000000e+00> : vector<50x512xf32>
    %dot_general3A_97 = tpu.matmul %convert_element_type3A_95, %get3A_1, %dot_general3A_96 {dimension_numbers = #tpu.dot_dimension_numbers<[1], [0], [0], [1], [0, 0, 1, 1], [], []>, transpose_lhs_hint = false} : vector<50x256xf32>, vector<256x512xf32>, vector<50x512xf32> -> vector<50x512xf32>
    %swap3A_98 = arith.constant 5 : index
    %swap3A_99 = arith.constant 0 : index
    %swap3A_100 = arith.constant 0 : index
    %swap3A_101 = vector.load %arg3[%swap3A_98, %swap3A_99, %swap3A_100] : memref<16x50x512xf32, #tpu.memory_space<vmem>>, vector<1x50x512xf32>
    %swap3A_102 = vector.shape_cast %swap3A_101 : vector<1x50x512xf32> to vector<50x512xf32>
    %swap3A_103 = vector.shape_cast %dot_general3A_97 : vector<50x512xf32> to vector<1x50x512xf32>
    tpu.vector_store %arg3[%swap3A_98, %swap3A_99, %swap3A_100], %swap3A_103 {strides = array<i32>} : memref<16x50x512xf32, #tpu.memory_space<vmem>>, vector<1x50x512xf32>,
    %get3A_104 = arith.constant 6 : index
    %get3A_105 = arith.constant 0 : index
    %get3A_106 = vector.load %arg1[%get3A_104, %get3A_105] : memref<16x50xi32, #tpu.memory_space<vmem>>, vector<1x50xi32>
    %get3A_107 = vector.shape_cast %get3A_106 : vector<1x50xi32> to vector<50xi32>
    %broadcast_in_dim3A_108 = vector.shape_cast %get3A_107 : vector<50xi32> to vector<50x1xi32>
    %iota3A_109 = tpu.iota {dimensions = array<i32: 1>} : vector<50x256xi32>
    %eq3A_110 = vector.broadcast %broadcast_in_dim3A_108 : vector<50x1xi32> to vector<50x256xi32>
    %eq3A_111 = arith.cmpi eq, %eq3A_110, %iota3A_109 : vector<50x256xi32>
    %convert_element_type3A_112 = arith.extui %eq3A_111 : vector<50x256xi1> to vector<50x256xi32>
    %convert_element_type3A_113 = arith.sitofp %convert_element_type3A_112 : vector<50x256xi32> to vector<50x256xf32>
    %dot_general3A_114 = arith.constant dense<0.000000e+00> : vector<50x512xf32>
    %dot_general3A_115 = tpu.matmul %convert_element_type3A_113, %get3A_1, %dot_general3A_114 {dimension_numbers = #tpu.dot_dimension_numbers<[1], [0], [0], [1], [0, 0, 1, 1], [], []>, transpose_lhs_hint = false} : vector<50x256xf32>, vector<256x512xf32>, vector<50x512xf32> -> vector<50x512xf32>
    %swap3A_116 = arith.constant 6 : index
    %swap3A_117 = arith.constant 0 : index
    %swap3A_118 = arith.constant 0 : index
    %swap3A_119 = vector.load %arg3[%swap3A_116, %swap3A_117, %swap3A_118] : memref<16x50x512xf32, #tpu.memory_space<vmem>>, vector<1x50x512xf32>
    %swap3A_120 = vector.shape_cast %swap3A_119 : vector<1x50x512xf32> to vector<50x512xf32>
    %swap3A_121 = vector.shape_cast %dot_general3A_115 : vector<50x512xf32> to vector<1x50x512xf32>
    tpu.vector_store %arg3[%swap3A_116, %swap3A_117, %swap3A_118], %swap3A_121 {strides = array<i32>} : memref<16x50x512xf32, #tpu.memory_space<vmem>>, vector<1x50x512xf32>,
    %get3A_122 = arith.constant 7 : index
    %get3A_123 = arith.constant 0 : index
    %get3A_124 = vector.load %arg1[%get3A_122, %get3A_123] : memref<16x50xi32, #tpu.memory_space<vmem>>, vector<1x50xi32>
    %get3A_125 = vector.shape_cast %get3A_124 : vector<1x50xi32> to vector<50xi32>
    %broadcast_in_dim3A_126 = vector.shape_cast %get3A_125 : vector<50xi32> to vector<50x1xi32>
    %iota3A_127 = tpu.iota {dimensions = array<i32: 1>} : vector<50x256xi32>
    %eq3A_128 = vector.broadcast %broadcast_in_dim3A_126 : vector<50x1xi32> to vector<50x256xi32>
    %eq3A_129 = arith.cmpi eq, %eq3A_128, %iota3A_127 : vector<50x256xi32>
    %convert_element_type3A_130 = arith.extui %eq3A_129 : vector<50x256xi1> to vector<50x256xi32>
    %convert_element_type3A_131 = arith.sitofp %convert_element_type3A_130 : vector<50x256xi32> to vector<50x256xf32>
    %dot_general3A_132 = arith.constant dense<0.000000e+00> : vector<50x512xf32>
    %dot_general3A_133 = tpu.matmul %convert_element_type3A_131, %get3A_1, %dot_general3A_132 {dimension_numbers = #tpu.dot_dimension_numbers<[1], [0], [0], [1], [0, 0, 1, 1], [], []>, transpose_lhs_hint = false} : vector<50x256xf32>, vector<256x512xf32>, vector<50x512xf32> -> vector<50x512xf32>
    %swap3A_134 = arith.constant 7 : index
    %swap3A_135 = arith.constant 0 : index
    %swap3A_136 = arith.constant 0 : index
    %swap3A_137 = vector.load %arg3[%swap3A_134, %swap3A_135, %swap3A_136] : memref<16x50x512xf32, #tpu.memory_space<vmem>>, vector<1x50x512xf32>
    %swap3A_138 = vector.shape_cast %swap3A_137 : vector<1x50x512xf32> to vector<50x512xf32>
    %swap3A_139 = vector.shape_cast %dot_general3A_133 : vector<50x512xf32> to vector<1x50x512xf32>
    tpu.vector_store %arg3[%swap3A_134, %swap3A_135, %swap3A_136], %swap3A_139 {strides = array<i32>} : memref<16x50x512xf32, #tpu.memory_space<vmem>>, vector<1x50x512xf32>,
    %get3A_140 = arith.constant 8 : index
    %get3A_141 = arith.constant 0 : index
    %get3A_142 = vector.load %arg1[%get3A_140, %get3A_141] : memref<16x50xi32, #tpu.memory_space<vmem>>, vector<1x50xi32>
    %get3A_143 = vector.shape_cast %get3A_142 : vector<1x50xi32> to vector<50xi32>
    %broadcast_in_dim3A_144 = vector.shape_cast %get3A_143 : vector<50xi32> to vector<50x1xi32>
    %iota3A_145 = tpu.iota {dimensions = array<i32: 1>} : vector<50x256xi32>
    %eq3A_146 = vector.broadcast %broadcast_in_dim3A_144 : vector<50x1xi32> to vector<50x256xi32>
    %eq3A_147 = arith.cmpi eq, %eq3A_146, %iota3A_145 : vector<50x256xi32>
    %convert_element_type3A_148 = arith.extui %eq3A_147 : vector<50x256xi1> to vector<50x256xi32>
    %convert_element_type3A_149 = arith.sitofp %convert_element_type3A_148 : vector<50x256xi32> to vector<50x256xf32>
    %dot_general3A_150 = arith.constant dense<0.000000e+00> : vector<50x512xf32>
    %dot_general3A_151 = tpu.matmul %convert_element_type3A_149, %get3A_1, %dot_general3A_150 {dimension_numbers = #tpu.dot_dimension_numbers<[1], [0], [0], [1], [0, 0, 1, 1], [], []>, transpose_lhs_hint = false} : vector<50x256xf32>, vector<256x512xf32>, vector<50x512xf32> -> vector<50x512xf32>
    %swap3A_152 = arith.constant 8 : index
    %swap3A_153 = arith.constant 0 : index
    %swap3A_154 = arith.constant 0 : index
    %swap3A_155 = vector.load %arg3[%swap3A_152, %swap3A_153, %swap3A_154] : memref<16x50x512xf32, #tpu.memory_space<vmem>>, vector<1x50x512xf32>
    %swap3A_156 = vector.shape_cast %swap3A_155 : vector<1x50x512xf32> to vector<50x512xf32>
    %swap3A_157 = vector.shape_cast %dot_general3A_151 : vector<50x512xf32> to vector<1x50x512xf32>
    tpu.vector_store %arg3[%swap3A_152, %swap3A_153, %swap3A_154], %swap3A_157 {strides = array<i32>} : memref<16x50x512xf32, #tpu.memory_space<vmem>>, vector<1x50x512xf32>,
    %get3A_158 = arith.constant 9 : index
    %get3A_159 = arith.constant 0 : index
    %get3A_160 = vector.load %arg1[%get3A_158, %get3A_159] : memref<16x50xi32, #tpu.memory_space<vmem>>, vector<1x50xi32>
    %get3A_161 = vector.shape_cast %get3A_160 : vector<1x50xi32> to vector<50xi32>
    %broadcast_in_dim3A_162 = vector.shape_cast %get3A_161 : vector<50xi32> to vector<50x1xi32>
    %iota3A_163 = tpu.iota {dimensions = array<i32: 1>} : vector<50x256xi32>
    %eq3A_164 = vector.broadcast %broadcast_in_dim3A_162 : vector<50x1xi32> to vector<50x256xi32>
    %eq3A_165 = arith.cmpi eq, %eq3A_164, %iota3A_163 : vector<50x256xi32>
    %convert_element_type3A_166 = arith.extui %eq3A_165 : vector<50x256xi1> to vector<50x256xi32>
    %convert_element_type3A_167 = arith.sitofp %convert_element_type3A_166 : vector<50x256xi32> to vector<50x256xf32>
    %dot_general3A_168 = arith.constant dense<0.000000e+00> : vector<50x512xf32>
    %dot_general3A_169 = tpu.matmul %convert_element_type3A_167, %get3A_1, %dot_general3A_168 {dimension_numbers = #tpu.dot_dimension_numbers<[1], [0], [0], [1], [0, 0, 1, 1], [], []>, transpose_lhs_hint = false} : vector<50x256xf32>, vector<256x512xf32>, vector<50x512xf32> -> vector<50x512xf32>
    %swap3A_170 = arith.constant 9 : index
    %swap3A_171 = arith.constant 0 : index
    %swap3A_172 = arith.constant 0 : index
    %swap3A_173 = vector.load %arg3[%swap3A_170, %swap3A_171, %swap3A_172] : memref<16x50x512xf32, #tpu.memory_space<vmem>>, vector<1x50x512xf32>
    %swap3A_174 = vector.shape_cast %swap3A_173 : vector<1x50x512xf32> to vector<50x512xf32>
    %swap3A_175 = vector.shape_cast %dot_general3A_169 : vector<50x512xf32> to vector<1x50x512xf32>
    tpu.vector_store %arg3[%swap3A_170, %swap3A_171, %swap3A_172], %swap3A_175 {strides = array<i32>} : memref<16x50x512xf32, #tpu.memory_space<vmem>>, vector<1x50x512xf32>,
    %get3A_176 = arith.constant 10 : index
    %get3A_177 = arith.constant 0 : index
    %get3A_178 = vector.load %arg1[%get3A_176, %get3A_177] : memref<16x50xi32, #tpu.memory_space<vmem>>, vector<1x50xi32>
    %get3A_179 = vector.shape_cast %get3A_178 : vector<1x50xi32> to vector<50xi32>
    %broadcast_in_dim3A_180 = vector.shape_cast %get3A_179 : vector<50xi32> to vector<50x1xi32>
    %iota3A_181 = tpu.iota {dimensions = array<i32: 1>} : vector<50x256xi32>
    %eq3A_182 = vector.broadcast %broadcast_in_dim3A_180 : vector<50x1xi32> to vector<50x256xi32>
    %eq3A_183 = arith.cmpi eq, %eq3A_182, %iota3A_181 : vector<50x256xi32>
    %convert_element_type3A_184 = arith.extui %eq3A_183 : vector<50x256xi1> to vector<50x256xi32>
    %convert_element_type3A_185 = arith.sitofp %convert_element_type3A_184 : vector<50x256xi32> to vector<50x256xf32>
    %dot_general3A_186 = arith.constant dense<0.000000e+00> : vector<50x512xf32>
    %dot_general3A_187 = tpu.matmul %convert_element_type3A_185, %get3A_1, %dot_general3A_186 {dimension_numbers = #tpu.dot_dimension_numbers<[1], [0], [0], [1], [0, 0, 1, 1], [], []>, transpose_lhs_hint = false} : vector<50x256xf32>, vector<256x512xf32>, vector<50x512xf32> -> vector<50x512xf32>
    %swap3A_188 = arith.constant 10 : index
    %swap3A_189 = arith.constant 0 : index
    %swap3A_190 = arith.constant 0 : index
    %swap3A_191 = vector.load %arg3[%swap3A_188, %swap3A_189, %swap3A_190] : memref<16x50x512xf32, #tpu.memory_space<vmem>>, vector<1x50x512xf32>
    %swap3A_192 = vector.shape_cast %swap3A_191 : vector<1x50x512xf32> to vector<50x512xf32>
    %swap3A_193 = vector.shape_cast %dot_general3A_187 : vector<50x512xf32> to vector<1x50x512xf32>
    tpu.vector_store %arg3[%swap3A_188, %swap3A_189, %swap3A_190], %swap3A_193 {strides = array<i32>} : memref<16x50x512xf32, #tpu.memory_space<vmem>>, vector<1x50x512xf32>,
    %get3A_194 = arith.constant 11 : index
    %get3A_195 = arith.constant 0 : index
    %get3A_196 = vector.load %arg1[%get3A_194, %get3A_195] : memref<16x50xi32, #tpu.memory_space<vmem>>, vector<1x50xi32>
    %get3A_197 = vector.shape_cast %get3A_196 : vector<1x50xi32> to vector<50xi32>
    %broadcast_in_dim3A_198 = vector.shape_cast %get3A_197 : vector<50xi32> to vector<50x1xi32>
    %iota3A_199 = tpu.iota {dimensions = array<i32: 1>} : vector<50x256xi32>
    %eq3A_200 = vector.broadcast %broadcast_in_dim3A_198 : vector<50x1xi32> to vector<50x256xi32>
    %eq3A_201 = arith.cmpi eq, %eq3A_200, %iota3A_199 : vector<50x256xi32>
    %convert_element_type3A_202 = arith.extui %eq3A_201 : vector<50x256xi1> to vector<50x256xi32>
    %convert_element_type3A_203 = arith.sitofp %convert_element_type3A_202 : vector<50x256xi32> to vector<50x256xf32>
    %dot_general3A_204 = arith.constant dense<0.000000e+00> : vector<50x512xf32>
    %dot_general3A_205 = tpu.matmul %convert_element_type3A_203, %get3A_1, %dot_general3A_204 {dimension_numbers = #tpu.dot_dimension_numbers<[1], [0], [0], [1], [0, 0, 1, 1], [], []>, transpose_lhs_hint = false} : vector<50x256xf32>, vector<256x512xf32>, vector<50x512xf32> -> vector<50x512xf32>
    %swap3A_206 = arith.constant 11 : index
    %swap3A_207 = arith.constant 0 : index
    %swap3A_208 = arith.constant 0 : index
    %swap3A_209 = vector.load %arg3[%swap3A_206, %swap3A_207, %swap3A_208] : memref<16x50x512xf32, #tpu.memory_space<vmem>>, vector<1x50x512xf32>
    %swap3A_210 = vector.shape_cast %swap3A_209 : vector<1x50x512xf32> to vector<50x512xf32>
    %swap3A_211 = vector.shape_cast %dot_general3A_205 : vector<50x512xf32> to vector<1x50x512xf32>
    tpu.vector_store %arg3[%swap3A_206, %swap3A_207, %swap3A_208], %swap3A_211 {strides = array<i32>} : memref<16x50x512xf32, #tpu.memory_space<vmem>>, vector<1x50x512xf32>,
    %get3A_212 = arith.constant 12 : index
    %get3A_213 = arith.constant 0 : index
    %get3A_214 = vector.load %arg1[%get3A_212, %get3A_213] : memref<16x50xi32, #tpu.memory_space<vmem>>, vector<1x50xi32>
    %get3A_215 = vector.shape_cast %get3A_214 : vector<1x50xi32> to vector<50xi32>
    %broadcast_in_dim3A_216 = vector.shape_cast %get3A_215 : vector<50xi32> to vector<50x1xi32>
    %iota3A_217 = tpu.iota {dimensions = array<i32: 1>} : vector<50x256xi32>
    %eq3A_218 = vector.broadcast %broadcast_in_dim3A_216 : vector<50x1xi32> to vector<50x256xi32>
    %eq3A_219 = arith.cmpi eq, %eq3A_218, %iota3A_217 : vector<50x256xi32>
    %convert_element_type3A_220 = arith.extui %eq3A_219 : vector<50x256xi1> to vector<50x256xi32>
    %convert_element_type3A_221 = arith.sitofp %convert_element_type3A_220 : vector<50x256xi32> to vector<50x256xf32>
    %dot_general3A_222 = arith.constant dense<0.000000e+00> : vector<50x512xf32>
    %dot_general3A_223 = tpu.matmul %convert_element_type3A_221, %get3A_1, %dot_general3A_222 {dimension_numbers = #tpu.dot_dimension_numbers<[1], [0], [0], [1], [0, 0, 1, 1], [], []>, transpose_lhs_hint = false} : vector<50x256xf32>, vector<256x512xf32>, vector<50x512xf32> -> vector<50x512xf32>
    %swap3A_224 = arith.constant 12 : index
    %swap3A_225 = arith.constant 0 : index
    %swap3A_226 = arith.constant 0 : index
    %swap3A_227 = vector.load %arg3[%swap3A_224, %swap3A_225, %swap3A_226] : memref<16x50x512xf32, #tpu.memory_space<vmem>>, vector<1x50x512xf32>
    %swap3A_228 = vector.shape_cast %swap3A_227 : vector<1x50x512xf32> to vector<50x512xf32>
    %swap3A_229 = vector.shape_cast %dot_general3A_223 : vector<50x512xf32> to vector<1x50x512xf32>
    tpu.vector_store %arg3[%swap3A_224, %swap3A_225, %swap3A_226], %swap3A_229 {strides = array<i32>} : memref<16x50x512xf32, #tpu.memory_space<vmem>>, vector<1x50x512xf32>,
    %get3A_230 = arith.constant 13 : index
    %get3A_231 = arith.constant 0 : index
    %get3A_232 = vector.load %arg1[%get3A_230, %get3A_231] : memref<16x50xi32, #tpu.memory_space<vmem>>, vector<1x50xi32>
    %get3A_233 = vector.shape_cast %get3A_232 : vector<1x50xi32> to vector<50xi32>
    %broadcast_in_dim3A_234 = vector.shape_cast %get3A_233 : vector<50xi32> to vector<50x1xi32>
    %iota3A_235 = tpu.iota {dimensions = array<i32: 1>} : vector<50x256xi32>
    %eq3A_236 = vector.broadcast %broadcast_in_dim3A_234 : vector<50x1xi32> to vector<50x256xi32>
    %eq3A_237 = arith.cmpi eq, %eq3A_236, %iota3A_235 : vector<50x256xi32>
    %convert_element_type3A_238 = arith.extui %eq3A_237 : vector<50x256xi1> to vector<50x256xi32>
    %convert_element_type3A_239 = arith.sitofp %convert_element_type3A_238 : vector<50x256xi32> to vector<50x256xf32>
    %dot_general3A_240 = arith.constant dense<0.000000e+00> : vector<50x512xf32>
    %dot_general3A_241 = tpu.matmul %convert_element_type3A_239, %get3A_1, %dot_general3A_240 {dimension_numbers = #tpu.dot_dimension_numbers<[1], [0], [0], [1], [0, 0, 1, 1], [], []>, transpose_lhs_hint = false} : vector<50x256xf32>, vector<256x512xf32>, vector<50x512xf32> -> vector<50x512xf32>
    %swap3A_242 = arith.constant 13 : index
    %swap3A_243 = arith.constant 0 : index
    %swap3A_244 = arith.constant 0 : index
    %swap3A_245 = vector.load %arg3[%swap3A_242, %swap3A_243, %swap3A_244] : memref<16x50x512xf32, #tpu.memory_space<vmem>>, vector<1x50x512xf32>
    %swap3A_246 = vector.shape_cast %swap3A_245 : vector<1x50x512xf32> to vector<50x512xf32>
    %swap3A_247 = vector.shape_cast %dot_general3A_241 : vector<50x512xf32> to vector<1x50x512xf32>
    tpu.vector_store %arg3[%swap3A_242, %swap3A_243, %swap3A_244], %swap3A_247 {strides = array<i32>} : memref<16x50x512xf32, #tpu.memory_space<vmem>>, vector<1x50x512xf32>,
    %get3A_248 = arith.constant 14 : index
    %get3A_249 = arith.constant 0 : index
    %get3A_250 = vector.load %arg1[%get3A_248, %get3A_249] : memref<16x50xi32, #tpu.memory_space<vmem>>, vector<1x50xi32>
    %get3A_251 = vector.shape_cast %get3A_250 : vector<1x50xi32> to vector<50xi32>
    %broadcast_in_dim3A_252 = vector.shape_cast %get3A_251 : vector<50xi32> to vector<50x1xi32>
    %iota3A_253 = tpu.iota {dimensions = array<i32: 1>} : vector<50x256xi32>
    %eq3A_254 = vector.broadcast %broadcast_in_dim3A_252 : vector<50x1xi32> to vector<50x256xi32>
    %eq3A_255 = arith.cmpi eq, %eq3A_254, %iota3A_253 : vector<50x256xi32>
    %convert_element_type3A_256 = arith.extui %eq3A_255 : vector<50x256xi1> to vector<50x256xi32>
    %convert_element_type3A_257 = arith.sitofp %convert_element_type3A_256 : vector<50x256xi32> to vector<50x256xf32>
    %dot_general3A_258 = arith.constant dense<0.000000e+00> : vector<50x512xf32>
    %dot_general3A_259 = tpu.matmul %convert_element_type3A_257, %get3A_1, %dot_general3A_258 {dimension_numbers = #tpu.dot_dimension_numbers<[1], [0], [0], [1], [0, 0, 1, 1], [], []>, transpose_lhs_hint = false} : vector<50x256xf32>, vector<256x512xf32>, vector<50x512xf32> -> vector<50x512xf32>
    %swap3A_260 = arith.constant 14 : index
    %swap3A_261 = arith.constant 0 : index
    %swap3A_262 = arith.constant 0 : index
    %swap3A_263 = vector.load %arg3[%swap3A_260, %swap3A_261, %swap3A_262] : memref<16x50x512xf32, #tpu.memory_space<vmem>>, vector<1x50x512xf32>
    %swap3A_264 = vector.shape_cast %swap3A_263 : vector<1x50x512xf32> to vector<50x512xf32>
    %swap3A_265 = vector.shape_cast %dot_general3A_259 : vector<50x512xf32> to vector<1x50x512xf32>
    tpu.vector_store %arg3[%swap3A_260, %swap3A_261, %swap3A_262], %swap3A_265 {strides = array<i32>} : memref<16x50x512xf32, #tpu.memory_space<vmem>>, vector<1x50x512xf32>,
    %get3A_266 = arith.constant 15 : index
    %get3A_267 = arith.constant 0 : index
    %get3A_268 = vector.load %arg1[%get3A_266, %get3A_267] : memref<16x50xi32, #tpu.memory_space<vmem>>, vector<1x50xi32>
    %get3A_269 = vector.shape_cast %get3A_268 : vector<1x50xi32> to vector<50xi32>
    %broadcast_in_dim3A_270 = vector.shape_cast %get3A_269 : vector<50xi32> to vector<50x1xi32>
    %iota3A_271 = tpu.iota {dimensions = array<i32: 1>} : vector<50x256xi32>
    %eq3A_272 = vector.broadcast %broadcast_in_dim3A_270 : vector<50x1xi32> to vector<50x256xi32>
    %eq3A_273 = arith.cmpi eq, %eq3A_272, %iota3A_271 : vector<50x256xi32>
    %convert_element_type3A_274 = arith.extui %eq3A_273 : vector<50x256xi1> to vector<50x256xi32>
    %convert_element_type3A_275 = arith.sitofp %convert_element_type3A_274 : vector<50x256xi32> to vector<50x256xf32>
    %dot_general3A_276 = arith.constant dense<0.000000e+00> : vector<50x512xf32>
    %dot_general3A_277 = tpu.matmul %convert_element_type3A_275, %get3A_1, %dot_general3A_276 {dimension_numbers = #tpu.dot_dimension_numbers<[1], [0], [0], [1], [0, 0, 1, 1], [], []>, transpose_lhs_hint = false} : vector<50x256xf32>, vector<256x512xf32>, vector<50x512xf32> -> vector<50x512xf32>
    %swap3A_278 = arith.constant 15 : index
    %swap3A_279 = arith.constant 0 : index
    %swap3A_280 = arith.constant 0 : index
    %swap3A_281 = vector.load %arg3[%swap3A_278, %swap3A_279, %swap3A_280] : memref<16x50x512xf32, #tpu.memory_space<vmem>>, vector<1x50x512xf32>
    %swap3A_282 = vector.shape_cast %swap3A_281 : vector<1x50x512xf32> to vector<50x512xf32>
    %swap3A_283 = vector.shape_cast %dot_general3A_277 : vector<50x512xf32> to vector<1x50x512xf32>
    tpu.vector_store %arg3[%swap3A_278, %swap3A_279, %swap3A_280], %swap3A_283 {strides = array<i32>} : memref<16x50x512xf32, #tpu.memory_space<vmem>>, vector<1x50x512xf32>,
    return
  }
  func.func @transform_0(%arg0: i32) -> (i32, i32) {
    %c0_i32 = arith.constant 0 : i32
    %c0_i32_0 = arith.constant 0 : i32
    return %arg0, %c0_i32 : i32, i32
  }
  func.func @transform_1(%arg0: i32) -> (i32, i32) {
    %c0_i32 = arith.constant 0 : i32
    %c0_i32_0 = arith.constant 0 : i32
    %c0_i32_1 = arith.constant 0 : i32
    return %c0_i32, %c0_i32_0 : i32, i32
  }
  func.func @transform_2(%arg0: i32) -> (i32, i32, i32) {
    %c0_i32 = arith.constant 0 : i32
    %c0_i32_0 = arith.constant 0 : i32
    %c0_i32_1 = arith.constant 0 : i32
    return %arg0, %c0_i32, %c0_i32_0 : i32, i32, i32
  }
}

</mosaic_0001>

<sc_bundles>
// kernel: _lookup.4.cloned.1.call-start
scs
__scs_entry_jumppad:
0x0: {  	(pc) =	sbr.rel $0x88, $3  }
0x1: {  	(tag) =	ssettag $0x0;
	lr =	simm.s32 $0x1  }
0x2: {  	[smem:$0x3F9F] =	sst lr;
	_ =	strace $0xD0000000  }
0x3: {  	_ = 	snop  }
0x4: {  	_ = 	snop  }
0x5: {  	_ = 	snop  }
0x6: {  	_ = 	snop  }
0x7: {  	_ = 	snop  }
__scs_overlays_trampoline_lowered:
0x8: {  	[smem:$0x3FAE] =	sst s0  }
0x9: {  	[smem:$0x3FAF] =	sst s1  }
0xa: {  	[smem:$0x3FB0] =	sst s2  }
0xb: {  	[smem:$0x3FB1] =	sst s3  }
0xc: {  	[smem:$0x3FB2] =	sst s4  }
0xd: {  	[smem:$0x3FB3] =	sst s5  }
0xe: {  	[smem:$0x3FB4] =	sst s6  }
0xf: {  	[smem:$0x3FB5] =	sst s7  }
0x10: {  	[smem:$0x3FB6] =	sst s8  }
0x11: {  	[smem:$0x3FB7] =	sst s9;
	s0 =	simm.s32 @!p0 $0x0  }
0x12: {  	s1 =	sld [smem:$0x3F9D];
	s0 =	simm.s32 @p0 $0x1  }
0x13: {  	[smem:$0x3FB8] =	sst s0;
	s0 =	simm.s32 @!p1 $0x0  }
0x14: {  	s2 =	sld [smem:$0x3F9C];
	s0 =	simm.s32 @p1 $0x1  }
0x15: {  	[smem:$0x3FB9] =	sst s0;
	s0 =	simm.s32 @!p2 $0x0  }
0x16: {  	s3 =	sld [smem:$0x3FDB];
	s0 =	simm.s32 @p2 $0x1  }
0x17: {  	s4 =	simm.s32 $0x1BF5;
	[smem:$0x3FBB] =	sst s0  }
0x18: {  	s0 =	sld [smem:$0x3F9E];
	_ =	swait.ge [sflag:s4], $0x0  }
0x19: {  	s7 =	sld [smem:$0x3F9F]  }
0x1a: {  	s8 =	sadd.s32 $0xFFFFE003, lr  }
0x1b: {  	s9 =	sadd.s32 $0xFFFFFEF7, lr;
	s5 =	simm.s32 $0xFFFFFFFF;
	p2 =	slt.u32 s8, $0xFFFFF086  }
0x1c: {  	p1 =	slt.u32 s9, $0xF7A;
	s5 =	simm.s32 @!p2 $0x0  }
0x1d: {  	s5 =	simm.s32 @p1 $0x1;
	p0 =	seq.s32 s7, s2  }
0x1e: {  	s7 =	smul.u32 @!p0 $0xF7A, s2;
	p2 =	seq.s32 @!p0 s5, $0x0  }
0x1f: {  	s9 =	smul.u32 $0xF7A, s1;
	s8 =	simm.s32 @!p0 $0x1BF5;
	p2 =	por !p2, p0  }
0x20: {  	[sflag:s8] =	ssyncset.s32 @!p0 $0xFFFFF086;
	s6 =	sadd.s32 @!p0 s3, s7;
	s7 =	simm.s32 @!p0 $0x108  }
0x21: {  	s3 =	sadd.s32 s3, s9;
	s6 =	sadd.s32 @!p0 $0x88, s6;
	s7 =	simm.s32 @p2 $0x1082  }
0x22: {  	[simem:s7], [sflag:s8] =	dma.local @!p0 [hbm:s6], $0xF7A  }
0x23: {  	s9 =	sor.u32 $0xD0000000, s2;
	s6 =	simm.s32 $0x108;
	_ =	swait.ge @!p0 [sflag:s8], $0x0  }
0x24: {  	s3 =	sadd.s32 $0x88, s3;
	s6 =	simm.s32 @!p1 $0x1082;
	[sflag:s4] =	ssyncset.s32 $0xFFFFF086  }
0x25: {  	[simem:s6], [sflag:s4] =	dma.local [hbm:s3], $0xF7A  }
0x26: {  	[smem:$0x3F9F] =	sst s1;
	(tag) =	ssettag s2;
	_ =	strace s9  }
0x27: {  	s1 =	sld [smem:$0x3FAF]  }
0x28: {  	s2 =	sld [smem:$0x3FB0]  }
0x29: {  	s4 =	sld [smem:$0x3FB2]  }
0x2a: {  	p0 =	seq.s32 s5, $0x0;
	s5 =	sld [smem:$0x3FB3]  }
0x2b: {  	s6 =	sld [smem:$0x3FB4]  }
0x2c: {  	s7 =	sld [smem:$0x3FB5]  }
0x2d: {  	s3 =	simm.s32 $0x108;
	s8 =	sld [smem:$0x3FB6]  }
0x2e: {  	s3 =	simm.s32 @!p0 $0x1082;
	s9 =	sld [smem:$0x3FB7]  }
0x2f: {  	lr =	sadd.s32 s0, s3;
	s0 =	sld [smem:$0x3FAE]  }
0x30: {  	s3 =	sld [smem:$0x3FB1]  }
0x31: {  	[smem:$0x3FBA] =	sst s10  }
0x32: {  	s10 =	sld [smem:$0x3FB8];
	_ =	sdelay $0x3  }
0x33: {  	p0 =	seq.s32 s10, $0x1;
	s10 =	sld [smem:$0x3FBA];
	_ =	sdelay $0x3  }
0x34: {  	[smem:$0x3FBA] =	sst s10  }
0x35: {  	s10 =	sld [smem:$0x3FB9];
	_ =	sdelay $0x3  }
0x36: {  	p1 =	seq.s32 s10, $0x1;
	s10 =	sld [smem:$0x3FBA];
	_ =	sdelay $0x3  }
0x37: {  	[smem:$0x3FBA] =	sst s10  }
0x38: {  	s10 =	sld [smem:$0x3FBB]  }
0x39: {  	_ = 	snop;
	(pc) =	sbr.ind lr, $3  }
0x3a: {  	_ = 	snop  }
0x3b: {  	_ = 	snop  }
0x3c: {  	p2 =	seq.s32 s10, $0x1;
	s10 =	sld [smem:$0x3FBA]  }
0x3d: {  	_ =	shalt  }
0x3e: {  	_ =	shalt  }
0x3f: {  	_ =	shalt  }
0x40: {  	_ =	shalt  }
0x41: {  	_ =	shalt  }
0x42: {  	_ =	shalt  }
0x43: {  	_ =	shalt  }
0x44: {  	_ =	shalt  }
0x45: {  	_ =	shalt  }
0x46: {  	_ =	shalt  }
0x47: {  	_ =	shalt  }
0x48: {  	_ =	shalt  }
0x49: {  	_ =	shalt  }
0x4a: {  	_ =	shalt  }
0x4b: {  	_ =	shalt  }
0x4c: {  	_ =	shalt  }
0x4d: {  	_ =	shalt  }
0x4e: {  	_ =	shalt  }
0x4f: {  	_ =	shalt  }
0x50: {  	_ =	shalt  }
0x51: {  	_ =	shalt  }
0x52: {  	_ =	shalt  }
0x53: {  	_ =	shalt  }
0x54: {  	_ =	shalt  }
0x55: {  	_ =	shalt  }
0x56: {  	_ =	shalt  }
0x57: {  	_ =	shalt  }
0x58: {  	_ =	shalt  }
0x59: {  	_ =	shalt  }
0x5a: {  	_ =	shalt  }
0x5b: {  	_ =	shalt  }
0x5c: {  	_ =	shalt  }
0x5d: {  	_ =	shalt  }
0x5e: {  	_ =	shalt  }
0x5f: {  	_ =	shalt  }
0x60: {  	_ =	shalt  }
0x61: {  	_ =	shalt  }
0x62: {  	_ =	shalt  }
0x63: {  	_ =	shalt  }
0x64: {  	_ =	shalt  }
0x65: {  	_ =	shalt  }
0x66: {  	_ =	shalt  }
0x67: {  	_ =	shalt  }
0x68: {  	_ =	shalt  }
0x69: {  	_ =	shalt  }
0x6a: {  	_ =	shalt  }
0x6b: {  	_ =	shalt  }
0x6c: {  	_ =	shalt  }
0x6d: {  	_ =	shalt  }
0x6e: {  	_ =	shalt  }
0x6f: {  	_ =	shalt  }
0x70: {  	_ =	shalt  }
0x71: {  	_ =	shalt  }
0x72: {  	_ =	shalt  }
0x73: {  	_ =	shalt  }
0x74: {  	_ =	shalt  }
0x75: {  	_ =	shalt  }
0x76: {  	_ =	shalt  }
0x77: {  	_ =	shalt  }
0x78: {  	_ =	shalt  }
0x79: {  	_ =	shalt  }
0x7a: {  	_ =	shalt  }
0x7b: {  	_ =	shalt  }
0x7c: {  	_ =	shalt  }
0x7d: {  	_ =	shalt  }
0x7e: {  	_ =	shalt  }
0x7f: {  	_ =	shalt  }
0x80: {  	_ =	shalt  }
0x81: {  	_ =	shalt  }
0x82: {  	_ =	shalt  }
0x83: {  	_ =	shalt  }
0x84: {  	_ =	shalt  }
0x85: {  	_ =	shalt  }
0x86: {  	_ =	shalt  }
0x87: {  	_ =	shalt  }
.Lfunc_end0:
.L_simem_size_0:
called_computation.1_lowered:
.L_overlay_start_0:
0x88: {  	s2 =	sld [smem:$0x3FD9]  }
0x89: {  	s3 =	sld [smem:$0x3FFE];
	_ =	sdelay $0x1  }
0x8a: {  	s1 =	srdreg.scid  }
0x8b: {  	s0 =	sand.u32 $0x1, s1  }
0x8c: {  	s17 =	sshll.u32 s0, $0xA;
	s2 =	sadd.s32 s3, s2  }
0x8d: {  	s2 =	sadd.s32 s2, s17  }
0x8e: {  	[smem:$0x3FC6] =	sst s2  }
0x8f: {  	_ = 	snop  }
0x90: {  	s2 =	sld [smem:$0x3FC8];
	(tm) =	ssettm $0x1  }
0x91: {  	s18 =	sld [smem:$0x3FFB];
	_ =	sdelay $0x3  }
0x92: {  	_ =	strace s18  }
0x93: {  	s3 =	sld [smem:$0x3FFC];
	_ =	sdelay $0x3  }
0x94: {  	_ =	strace s3  }
0x95: {  	s3 =	sld [smem:$0x3FFD];
	_ =	sdelay $0x3  }
0x96: {  	_ =	strace s3  }
0x97: {  	_ =	strace $0x8FFFFFFF  }
0x98: {  	s19 =	sld [smem:$0x3FDB];
	_ =	sdelay $0x1  }
0x99: {  	s4 =	simm.s32 $_scs_section_size  }
0x9a: {  	s5 =	simm.s32 $_size__tile_overlayer_lowered;
	s6 =	simm.s32 $_tile_overlayer_lowered  }
0x9b: {  	s22 =	simm.s32 $0x1BFF;
	s21 =	sshll.u32 s6, $0x1;
	s3 =	sadd.s32 s4, s19  }
0x9c: {  	s7 =	simm.s32 $0x0;
	s20 =	sshll.u32 s5, $0x1;
	s5 =	sadd.s32 s21, s3  }
0x9d: {  	[timem:s7], [sflag:s22] =	dma.local [hbm:s5], s20  }
0x9e: {  	_ =	swait.ge [sflag:s22], s20  }
0x9f: {  	s4 =	ssub.s32 $0x0, s20;
	[sflag:s22] =	ssyncset.done $0x0  }
0xa0: {  	[sflag:s22] =	ssyncadd.s32 s4;
	_ =	sdelay $0x1  }
0xa1: {  	s23 =	simm.s32 $0x1B8B  }
0xa2: {  	_ =	swait.ge [sflag:s23], $0x1  }
0xa3: {  	[sflag:s23] =	ssyncset.done $0x0  }
0xa4: {  	s25 =	simm.s32 $0x1B8E;
	s24 =	sld [smem:$0x3FFE];
	[sflag:s23] =	ssyncadd.s32 $0xFFFFFFFF  }
0xa5: {  	s26 =	simm.s32 $execute0_lowered;
	[smem:$0x3FD2] =	sst s25  }
0xa6: {  	s5 =	sshll.u32 s26, $0x1;
	_ =	strace $0x80000046;
	[dreg:$0x1] =	wrdreg $0xFFFFFFFF  }
0xa7: {  	s28 =	simm.s32 $_size_execute0_lowered;
	s3 =	sadd.s32 s3, s5;
	[dreg:$0x0] =	wrdreg $0x0  }
0xa8: {  	s5 =	sshll.u32 s28, $0x1;
	[dreg:$0x2] =	wrdreg s3  }
0xa9: {  	[dreg:$0x3] =	wrdreg s5  }
0xaa: {  	[dreg:$0x4] =	wrdreg $0xC0  }
0xab: {  	_ =	task [dreg:s7], $0x5FFFF  }
0xac: {  	[dreg:$0x1] =	wrdreg $0xFFFFFFFF  }
0xad: {  	[dreg:$0x0] =	wrdreg $0x60  }
0xae: {  	[dreg:$0x2] =	wrdreg s24  }
0xaf: {  	[dreg:$0x3] =	wrdreg s2  }
0xb0: {  	[dreg:$0x4] =	wrdreg $0x9  }
0xb1: {  	_ =	task.clear_ibuf [dreg:s7], $0x5FFFF;
	_ =	strace $0x90000046  }
0xb2: {  	s29 =	simm.s32 $0x9;
	_ =	strace $0x80000048  }
0xb3: {  	_ =	swait.ge [sflag:s29], $0x1  }
0xb4: {  	[sflag:s29] =	ssyncadd.s32 $0xFFFFFFFF  }
0xb5: {  	_ =	strace $0x90000048  }
0xb6: {  	_ =	sfence  }
0xb7: {  	s30 =	sld [smem:$0x0];
	_ =	sdelay $0x2  }
0xb8: {  	s31 =	sshll.u32 s1, $0xD;
	s1 =	sshrl.u32 s1, $0x2  }
0xb9: {  	s3 =	sand.u32 $0x4000, s31;
	s1 =	sadd.s32 s1, s30  }
0xba: {  	s0 =	sor.u32 s3, s0;
	s1 =	sshll.u32 s1, $0x11  }
0xbb: {  	s0 =	sor.u32 s1, s0  }
0xbc: {  	s0 =	sadd.s32 $0x8F2B, s0  }
0xbd: {  	[sflag:s0] =	ssyncadd.remote.s32 $0x1  }
0xbe: {  	_ =	sfence.sel $0xFFFF  }
0xbf: {  	[dreg:$0x0] =	wrdreg $0xFFFFFFFF;
	(pc) =	sbr.abs _section_cstart, $3  }
0xc0: {  	[dreg:$0x1] =	wrdreg $0xFFFFFFFF  }
0xc1: {  	_ =	task.clear_ibuf [dreg:s7], $0x2FFFF;
	_ =	strace $0x9FFFFFFF  }
0xc2: {  	(tm) =	ssettm $0x7FFFFFFF  }
0xc3: {  	_ =	shalt  }
tec
execute0_lowered:
.L_overlay_start_1:
0x0: {  	(tag) =	ssettag $0x1  }
0x1: {  	s0 =	rddreg [dreg:$0x0];
	s1 =	srdreg.scid  }
0x2: {  	s5 =	stileid.u32;
	s2 =	rddreg [dreg:$0x1]  }
0x3: {  	s3 =	simm.s32 $0x0;
	s8 =	simm.s32 $0x3;
	s9 =	simm.s32 $0x680  }
0x4: {  	s30 =	simm.s32 $0xA680;
	s31 =	simm.s32 $0xAE80;
	s10 =	simm.s32 $0xD680  }
0x5: {  	s11 =	simm.s32 $0xDE80;
	s12 =	simm.s32 $0xE680;
	s13 =	simm.s32 $0xEE80  }
0x6: {  	s14 =	simm.s32 $0xF680;
	s15 =	simm.s32 $0xFE80;
	s16 =	simm.s32 $0x10680  }
0x7: {  	s17 =	simm.s32 $0x10E80;
	s18 =	simm.s32 $0x11680;
	s19 =	simm.s32 $0x11E80  }
0x8: {  	s20 =	simm.s32 $0x12680;
	s21 =	simm.s32 $0x12E80;
	s22 =	simm.s32 $0x13680  }
0x9: {  	s23 =	simm.s32 $0x13E80;
	s24 =	simm.s32 $0x1;
	s25 =	simm.s32 $0x2  }
0xa: {  	s28 =	simm.s32 $0x0;
	s1 =	sand.u32 $0x1, s1;
	s4 =	sshll.u32 s5, $0x1  }
0xb: {  	s5 =	smul.u32 $0x32000, s5;
	s4 =	sor.u32 s1, s4;
	s6 =	ssub.s32 $0x2, s1  }
0xc: {  	[smem:$0x7FF] =	sst s3;
	s4 =	smul.u32 $0x640, s4;
	s7 =	sshrl.u32 s6, $0x1  }
0xd: {  	_ =	strace $0x80000047;
	s1 =	smul.u32 $0x19000, s1;
	s6 =	ssub.s32 s6, s7  }
.Ltmp0:
0xe: {  	s4 =	sshrl.u32 s4, $0x3;
	s29 =	smax.u32 s6, $0x1;
	(pc) =	sbr.rel .LBB2_1-.Ltmp0, $4  }
0xf: {  	s6 =	simm.s32 $0xCE80;
	s4 =	sadd.s32 s4, s0;
	s0 =	sadd.s32 s5, s0  }
0x10: {  	v2 =	vlaneseq.u32;
	s5 =	sadd.s32 $0x100, s2;
	[dreg:$0x4] =	wrdreg s29;
	s4 =	sadd.s32 $0xE00, s4  }
0x11: {  	vm0 =	vmmov $0xffff;
	v1 =	vshrl.u32 v2, $0x3;
	s0 =	sadd.s32 s1, s0;
	s1 =	simm.s32 $0xB680;
	[dreg:$0x3] =	wrdreg s4  }
0x12: {  	v0 =	vand.u32 $0x7, v2;
	v2 =	vor.u32 $0x8, v2;
	v1 =	vmul.u32 $0x8, v1;
	s7 =	sadd.s32 $0x2800, s0;
	s0 =	simm.s32 $0xBE80;
	s4 =	simm.s32 $0xC680  }
.LBB2_6:
0x13: {  	s28 =	rddreg [dreg:$0x5]  }
0x14: {  	s26 =	rddreg [dreg:$0x4];
	s28 =	sadd.s32 $0x1, s28  }
0x15: {  	p0 =	sne.s32 s28, s26  }
.Ltmp1:
0x16: {  	_ = 	snop;
	(pc) =	sbr.rel @!p0 .LBB2_7-.Ltmp1, $1  }
0x17: {  	_ =	sdelay $0x3  }
.LBB2_1:
0x18: {  	[dreg:$0x5] =	wrdreg s28  }
0x19: {  	s26 =	rddreg [dreg:$0x3]  }
0x1a: {  	[tilespmem:s3], [sflag:$0x3] =	stream.linear.gather [hbm4b:s26+s3], $0x640, $0x38;
	[tilespmem:$0x14680] =	vst v63  }
0x1b: {  	_ =	swait.ge [sflag:s8], $0x640  }
0x1c: {  	[sflag:s8] =	ssyncset.done $0x0  }
0x1d: {  	[sflag:s8] =	ssyncadd.s32 $0xFFFFF9C0  }
0x1e: {  	v3 =	vld [tilespmem:$0x0];
	_ =	sdelay $0x4  }
0x1f: {  	v4 =	vshll.u32 v3, $0x2  }
0x20: {  	v3 =	vand.u32 $0x7, v3;
	v4 =	vand.u32 $0xFFFFFFE0, v4  }
0x21: {  	v3 =	vor.u32 v3, v4  }
0x22: {  	v4 =	vperm.xlane v3, v0;
	_ =	sdelay $0x1  }
0x23: {  	v4 =	vadd.s32 v1, v4;
	_ =	sdelay $0x1  }
0x24: {  	v3 =	vperm.xlane v3, v2;
	_ =	sdelay $0x1  }
0x25: {  	v3 =	vadd.s32 v1, v3  }
0x26: {  	[tilespmem:s9], [sflag:$0x1] =	stream.indirect_vreg.gather [hbm4b:s2+s3], $0x80, v4, vm0, $0xb8;
	[tilespmem:$0x14680] =	vst v63  }
0x27: {  	s29 =	simm.s32 $0xE80  }
0x28: {  	[tilespmem:s29], [sflag:$0x1] =	stream.indirect_vreg.gather [hbm4b:s5+s3], $0x80, v4, vm0, $0xb8;
	[tilespmem:$0x14680] =	vst v63  }
0x29: {  	s29 =	simm.s32 $0x1680  }
0x2a: {  	[tilespmem:s29], [sflag:$0x1] =	stream.indirect_vreg.gather [hbm4b:s2+s3], $0x80, v3, vm0, $0xb8;
	[tilespmem:$0x14680] =	vst v63  }
0x2b: {  	s29 =	simm.s32 $0x1E80  }
0x2c: {  	[tilespmem:s29], [sflag:$0x1] =	stream.indirect_vreg.gather [hbm4b:s5+s3], $0x80, v3, vm0, $0xb8;
	[tilespmem:$0x14680] =	vst v63  }
0x2d: {  	v3 =	vld [tilespmem:$0x10];
	_ =	sdelay $0x4  }
0x2e: {  	v55 =	vshll.u32 v3, $0x2  }
0x2f: {  	v3 =	vand.u32 $0x7, v3;
	v4 =	vand.u32 $0xFFFFFFE0, v55  }
0x30: {  	v3 =	vor.u32 v3, v4  }
0x31: {  	v4 =	vperm.xlane v3, v0;
	_ =	sdelay $0x1  }
0x32: {  	v4 =	vadd.s32 v1, v4;
	_ =	sdelay $0x1  }
0x33: {  	v3 =	vperm.xlane v3, v2;
	_ =	sdelay $0x1  }
0x34: {  	s29 =	simm.s32 $0x2680;
	v3 =	vadd.s32 v1, v3  }
0x35: {  	[tilespmem:s29], [sflag:$0x1] =	stream.indirect_vreg.gather [hbm4b:s2+s3], $0x80, v4, vm0, $0xb8;
	[tilespmem:$0x14680] =	vst v63  }
0x36: {  	s29 =	simm.s32 $0x2E80  }
0x37: {  	[tilespmem:s29], [sflag:$0x1] =	stream.indirect_vreg.gather [hbm4b:s5+s3], $0x80, v4, vm0, $0xb8;
	[tilespmem:$0x14680] =	vst v63  }
0x38: {  	s29 =	simm.s32 $0x3680  }
0x39: {  	[tilespmem:s29], [sflag:$0x1] =	stream.indirect_vreg.gather [hbm4b:s2+s3], $0x80, v3, vm0, $0xb8;
	[tilespmem:$0x14680] =	vst v63  }
0x3a: {  	s29 =	simm.s32 $0x3E80  }
0x3b: {  	[tilespmem:s29], [sflag:$0x1] =	stream.indirect_vreg.gather [hbm4b:s5+s3], $0x80, v3, vm0, $0xb8;
	[tilespmem:$0x14680] =	vst v63  }
0x3c: {  	v3 =	vld [tilespmem:$0x20];
	_ =	sdelay $0x4  }
0x3d: {  	v56 =	vshll.u32 v3, $0x2  }
0x3e: {  	v3 =	vand.u32 $0x7, v3;
	v4 =	vand.u32 $0xFFFFFFE0, v56  }
0x3f: {  	v3 =	vor.u32 v3, v4  }
0x40: {  	v4 =	vperm.xlane v3, v0;
	_ =	sdelay $0x1  }
0x41: {  	v4 =	vadd.s32 v1, v4;
	_ =	sdelay $0x1  }
0x42: {  	v3 =	vperm.xlane v3, v2;
	_ =	sdelay $0x1  }
0x43: {  	s29 =	simm.s32 $0x4680;
	v3 =	vadd.s32 v1, v3  }
0x44: {  	[tilespmem:s29], [sflag:$0x1] =	stream.indirect_vreg.gather [hbm4b:s2+s3], $0x80, v4, vm0, $0xb8;
	[tilespmem:$0x14680] =	vst v63  }
0x45: {  	s29 =	simm.s32 $0x4E80  }
0x46: {  	[tilespmem:s29], [sflag:$0x1] =	stream.indirect_vreg.gather [hbm4b:s5+s3], $0x80, v4, vm0, $0xb8;
	[tilespmem:$0x14680] =	vst v63  }
0x47: {  	s29 =	simm.s32 $0x5680  }
0x48: {  	[tilespmem:s29], [sflag:$0x1] =	stream.indirect_vreg.gather [hbm4b:s2+s3], $0x80, v3, vm0, $0xb8;
	[tilespmem:$0x14680] =	vst v63  }
0x49: {  	s29 =	simm.s32 $0x5E80  }
0x4a: {  	[tilespmem:s29], [sflag:$0x1] =	stream.indirect_vreg.gather [hbm4b:s5+s3], $0x80, v3, vm0, $0xb8;
	[tilespmem:$0x14680] =	vst v63  }
0x4b: {  	v3 =	vld [tilespmem:$0x30];
	_ =	sdelay $0x4  }
0x4c: {  	v57 =	vshll.u32 v3, $0x2  }
0x4d: {  	v3 =	vand.u32 $0x7, v3;
	v4 =	vand.u32 $0xFFFFFFE0, v57  }
0x4e: {  	v3 =	vor.u32 v3, v4  }
0x4f: {  	v4 =	vperm.xlane v3, v0;
	_ =	sdelay $0x1  }
0x50: {  	v4 =	vadd.s32 v1, v4;
	_ =	sdelay $0x1  }
0x51: {  	v3 =	vperm.xlane v3, v2;
	_ =	sdelay $0x1  }
0x52: {  	s29 =	simm.s32 $0x6680;
	v3 =	vadd.s32 v1, v3  }
0x53: {  	[tilespmem:s29], [sflag:$0x1] =	stream.indirect_vreg.gather [hbm4b:s2+s3], $0x80, v4, vm0, $0xb8;
	[tilespmem:$0x14680] =	vst v63  }
0x54: {  	s29 =	simm.s32 $0x6E80  }
0x55: {  	[tilespmem:s29], [sflag:$0x1] =	stream.indirect_vreg.gather [hbm4b:s5+s3], $0x80, v4, vm0, $0xb8;
	[tilespmem:$0x14680] =	vst v63  }
0x56: {  	s29 =	simm.s32 $0x7680  }
0x57: {  	[tilespmem:s29], [sflag:$0x1] =	stream.indirect_vreg.gather [hbm4b:s2+s3], $0x80, v3, vm0, $0xb8;
	[tilespmem:$0x14680] =	vst v63  }
0x58: {  	s29 =	simm.s32 $0x7E80  }
0x59: {  	[tilespmem:s29], [sflag:$0x1] =	stream.indirect_vreg.gather [hbm4b:s5+s3], $0x80, v3, vm0, $0xb8;
	[tilespmem:$0x14680] =	vst v63  }
0x5a: {  	v3 =	vld [tilespmem:$0x40];
	_ =	sdelay $0x4  }
0x5b: {  	v58 =	vshll.u32 v3, $0x2  }
0x5c: {  	v3 =	vand.u32 $0x7, v3;
	v4 =	vand.u32 $0xFFFFFFE0, v58  }
0x5d: {  	v3 =	vor.u32 v3, v4  }
0x5e: {  	v4 =	vperm.xlane v3, v0;
	_ =	sdelay $0x1  }
0x5f: {  	v4 =	vadd.s32 v1, v4;
	_ =	sdelay $0x1  }
0x60: {  	v3 =	vperm.xlane v3, v2;
	_ =	sdelay $0x1  }
0x61: {  	s29 =	simm.s32 $0x8680;
	v3 =	vadd.s32 v1, v3  }
0x62: {  	[tilespmem:s29], [sflag:$0x1] =	stream.indirect_vreg.gather [hbm4b:s2+s3], $0x80, v4, vm0, $0xb8;
	[tilespmem:$0x14680] =	vst v63  }
0x63: {  	s29 =	simm.s32 $0x8E80  }
0x64: {  	[tilespmem:s29], [sflag:$0x1] =	stream.indirect_vreg.gather [hbm4b:s5+s3], $0x80, v4, vm0, $0xb8;
	[tilespmem:$0x14680] =	vst v63  }
0x65: {  	s29 =	simm.s32 $0x9680  }
0x66: {  	[tilespmem:s29], [sflag:$0x1] =	stream.indirect_vreg.gather [hbm4b:s2+s3], $0x80, v3, vm0, $0xb8;
	[tilespmem:$0x14680] =	vst v63  }
0x67: {  	s29 =	simm.s32 $0x9E80  }
0x68: {  	[tilespmem:s29], [sflag:$0x1] =	stream.indirect_vreg.gather [hbm4b:s5+s3], $0x80, v3, vm0, $0xb8;
	[tilespmem:$0x14680] =	vst v63  }
0x69: {  	v3 =	vld [tilespmem:$0x50];
	_ =	sdelay $0x4  }
0x6a: {  	v59 =	vshll.u32 v3, $0x2  }
0x6b: {  	v3 =	vand.u32 $0x7, v3;
	v4 =	vand.u32 $0xFFFFFFE0, v59  }
0x6c: {  	v3 =	vor.u32 v3, v4  }
0x6d: {  	v4 =	vperm.xlane v3, v0;
	_ =	sdelay $0x1  }
0x6e: {  	v4 =	vadd.s32 v1, v4;
	_ =	sdelay $0x1  }
0x6f: {  	v3 =	vperm.xlane v3, v2;
	_ =	sdelay $0x1  }
0x70: {  	v3 =	vadd.s32 v1, v3  }
0x71: {  	[tilespmem:s30], [sflag:$0x2] =	stream.indirect_vreg.gather [hbm4b:s2+s3], $0x80, v4, vm0, $0xb8;
	[tilespmem:$0x14680] =	vst v63  }
0x72: {  	_ = 	snop  }
0x73: {  	[tilespmem:s31], [sflag:$0x2] =	stream.indirect_vreg.gather [hbm4b:s5+s3], $0x80, v4, vm0, $0xb8;
	[tilespmem:$0x14680] =	vst v63  }
0x74: {  	_ = 	snop  }
0x75: {  	[tilespmem:s1], [sflag:$0x2] =	stream.indirect_vreg.gather [hbm4b:s2+s3], $0x80, v3, vm0, $0xb8;
	[tilespmem:$0x14680] =	vst v63  }
0x76: {  	_ = 	snop  }
0x77: {  	[tilespmem:s0], [sflag:$0x2] =	stream.indirect_vreg.gather [hbm4b:s5+s3], $0x80, v3, vm0, $0xb8;
	[tilespmem:$0x14680] =	vst v63  }
0x78: {  	v3 =	vld [tilespmem:$0x60];
	_ =	sdelay $0x4  }
0x79: {  	v60 =	vshll.u32 v3, $0x2  }
0x7a: {  	v3 =	vand.u32 $0x7, v3;
	v4 =	vand.u32 $0xFFFFFFE0, v60  }
0x7b: {  	v3 =	vor.u32 v3, v4  }
0x7c: {  	v4 =	vperm.xlane v3, v0;
	_ =	sdelay $0x1  }
0x7d: {  	v4 =	vadd.s32 v1, v4;
	_ =	sdelay $0x1  }
0x7e: {  	v3 =	vperm.xlane v3, v2;
	_ =	sdelay $0x1  }
0x7f: {  	v3 =	vadd.s32 v1, v3  }
0x80: {  	[tilespmem:s4], [sflag:$0x2] =	stream.indirect_vreg.gather [hbm4b:s2+s3], $0x80, v4, vm0, $0xb8;
	[tilespmem:$0x14680] =	vst v63  }
0x81: {  	_ = 	snop  }
0x82: {  	[tilespmem:s6], [sflag:$0x2] =	stream.indirect_vreg.gather [hbm4b:s5+s3], $0x80, v4, vm0, $0xb8;
	[tilespmem:$0x14680] =	vst v63  }
0x83: {  	_ = 	snop  }
0x84: {  	[tilespmem:s10], [sflag:$0x2] =	stream.indirect_vreg.gather [hbm4b:s2+s3], $0x80, v3, vm0, $0xb8;
	[tilespmem:$0x14680] =	vst v63  }
0x85: {  	_ = 	snop  }
0x86: {  	[tilespmem:s11], [sflag:$0x2] =	stream.indirect_vreg.gather [hbm4b:s5+s3], $0x80, v3, vm0, $0xb8;
	[tilespmem:$0x14680] =	vst v63  }
0x87: {  	v3 =	vld [tilespmem:$0x70];
	_ =	sdelay $0x4  }
0x88: {  	v61 =	vshll.u32 v3, $0x2  }
0x89: {  	v3 =	vand.u32 $0x7, v3;
	v4 =	vand.u32 $0xFFFFFFE0, v61  }
0x8a: {  	v3 =	vor.u32 v3, v4  }
0x8b: {  	v4 =	vperm.xlane v3, v0;
	_ =	sdelay $0x1  }
0x8c: {  	v4 =	vadd.s32 v1, v4;
	_ =	sdelay $0x1  }
0x8d: {  	v3 =	vperm.xlane v3, v2;
	_ =	sdelay $0x1  }
0x8e: {  	v3 =	vadd.s32 v1, v3  }
0x8f: {  	[tilespmem:s12], [sflag:$0x2] =	stream.indirect_vreg.gather [hbm4b:s2+s3], $0x80, v4, vm0, $0xb8;
	[tilespmem:$0x14680] =	vst v63  }
0x90: {  	_ = 	snop  }
0x91: {  	[tilespmem:s13], [sflag:$0x2] =	stream.indirect_vreg.gather [hbm4b:s5+s3], $0x80, v4, vm0, $0xb8;
	[tilespmem:$0x14680] =	vst v63  }
0x92: {  	_ = 	snop  }
0x93: {  	[tilespmem:s14], [sflag:$0x2] =	stream.indirect_vreg.gather [hbm4b:s2+s3], $0x80, v3, vm0, $0xb8;
	[tilespmem:$0x14680] =	vst v63  }
0x94: {  	_ = 	snop  }
0x95: {  	[tilespmem:s15], [sflag:$0x2] =	stream.indirect_vreg.gather [hbm4b:s5+s3], $0x80, v3, vm0, $0xb8;
	[tilespmem:$0x14680] =	vst v63  }
0x96: {  	v3 =	vld [tilespmem:$0x80];
	_ =	sdelay $0x4  }
0x97: {  	v62 =	vshll.u32 v3, $0x2  }
0x98: {  	v3 =	vand.u32 $0x7, v3;
	v4 =	vand.u32 $0xFFFFFFE0, v62  }
0x99: {  	v3 =	vor.u32 v3, v4  }
0x9a: {  	v4 =	vperm.xlane v3, v0;
	_ =	sdelay $0x1  }
0x9b: {  	v4 =	vadd.s32 v1, v4;
	_ =	sdelay $0x1  }
0x9c: {  	v3 =	vperm.xlane v3, v2;
	_ =	sdelay $0x1  }
0x9d: {  	v3 =	vadd.s32 v1, v3  }
0x9e: {  	[tilespmem:s16], [sflag:$0x2] =	stream.indirect_vreg.gather [hbm4b:s2+s3], $0x80, v4, vm0, $0xb8;
	[tilespmem:$0x14680] =	vst v63  }
0x9f: {  	_ = 	snop  }
0xa0: {  	[tilespmem:s17], [sflag:$0x2] =	stream.indirect_vreg.gather [hbm4b:s5+s3], $0x80, v4, vm0, $0xb8;
	[tilespmem:$0x14680] =	vst v63  }
0xa1: {  	_ = 	snop  }
0xa2: {  	[tilespmem:s18], [sflag:$0x2] =	stream.indirect_vreg.gather [hbm4b:s2+s3], $0x80, v3, vm0, $0xb8;
	[tilespmem:$0x14680] =	vst v63  }
0xa3: {  	_ = 	snop  }
0xa4: {  	[tilespmem:s19], [sflag:$0x2] =	stream.indirect_vreg.gather [hbm4b:s5+s3], $0x80, v3, vm0, $0xb8;
	[tilespmem:$0x14680] =	vst v63  }
0xa5: {  	v3 =	vld [tilespmem:$0x90];
	_ =	sdelay $0x4  }
0xa6: {  	v63 =	vshll.u32 v3, $0x2  }
0xa7: {  	v3 =	vand.u32 $0x7, v3;
	v4 =	vand.u32 $0xFFFFFFE0, v63  }
0xa8: {  	v3 =	vor.u32 v3, v4  }
0xa9: {  	v4 =	vperm.xlane v3, v0;
	_ =	sdelay $0x1  }
0xaa: {  	v4 =	vadd.s32 v1, v4;
	_ =	sdelay $0x1  }
0xab: {  	v3 =	vperm.xlane v3, v2;
	_ =	sdelay $0x1  }
0xac: {  	v3 =	vadd.s32 v1, v3  }
0xad: {  	[tilespmem:s20], [sflag:$0x2] =	stream.indirect_vreg.gather [hbm4b:s2+s3], $0x80, v4, vm0, $0xb8;
	[tilespmem:$0x14680] =	vst v63  }
0xae: {  	_ = 	snop  }
0xaf: {  	[tilespmem:s21], [sflag:$0x2] =	stream.indirect_vreg.gather [hbm4b:s5+s3], $0x80, v4, vm0, $0xb8;
	[tilespmem:$0x14680] =	vst v63  }
0xb0: {  	_ = 	snop  }
0xb1: {  	[tilespmem:s22], [sflag:$0x2] =	stream.indirect_vreg.gather [hbm4b:s2+s3], $0x80, v3, vm0, $0xb8;
	[tilespmem:$0x14680] =	vst v63  }
0xb2: {  	s28 =	simm.s32 $0x0;
	s26 =	simm.s32 $0x130  }
0xb3: {  	[tilespmem:s23], [sflag:$0x2] =	stream.indirect_vreg.gather [hbm4b:s5+s3], $0x80, v3, vm0, $0xb8;
	[tilespmem:$0x14680] =	vst v63  }
.LBB2_2:
0xb4: {  	_ =	swait.ge [sflag:s24], $0xA000  }
0xb5: {  	p0 =	seq.s32 s28, $0x16800;
	[sflag:s24] =	ssyncset.done $0x0  }
.Ltmp2:
0xb6: {  	s29 =	sadd.s32 s28, s7;
	[sflag:s24] =	ssyncadd.s32 $0xFFFF6000;
	(pc) =	sbr.rel @p0 .LBB2_4-.Ltmp2, $4  }
0xb7: {  	[hbm4b:s29+s3] =	stream.linear.scatter [tilespmem:s9], [sflag:$0x3], $0xA000, $0x38;
	[tilespmem:$0x14680] =	vst v63  }
0xb8: {  	_ =	swait.ge [sflag:s8], $0xA000  }
0xb9: {  	[sflag:s8] =	ssyncset.done $0x0  }
0xba: {  	[sflag:s8] =	ssyncadd.s32 $0xFFFF6000  }
0xbb: {  	v3 =	vld [tilespmem:s26+$0xFFFFFF70];
	_ =	sdelay $0x4  }
0xbc: {  	v4 =	vshll.u32 v3, $0x2  }
0xbd: {  	v3 =	vand.u32 $0x7, v3;
	v4 =	vand.u32 $0xFFFFFFE0, v4  }
0xbe: {  	v3 =	vor.u32 v3, v4  }
0xbf: {  	v4 =	vperm.xlane v3, v0;
	_ =	sdelay $0x1  }
0xc0: {  	v4 =	vadd.s32 v1, v4;
	_ =	sdelay $0x1  }
0xc1: {  	v3 =	vperm.xlane v3, v2;
	_ =	sdelay $0x1  }
0xc2: {  	v3 =	vadd.s32 v1, v3  }
0xc3: {  	[tilespmem:s9], [sflag:$0x1] =	stream.indirect_vreg.gather [hbm4b:s2+s3], $0x80, v4, vm0, $0xb8;
	[tilespmem:$0x14680] =	vst v63  }
0xc4: {  	s31 =	simm.s32 $0xE80  }
0xc5: {  	[tilespmem:s31], [sflag:$0x1] =	stream.indirect_vreg.gather [hbm4b:s5+s3], $0x80, v4, vm0, $0xb8;
	[tilespmem:$0x14680] =	vst v63  }
0xc6: {  	s31 =	simm.s32 $0x1680  }
0xc7: {  	[tilespmem:s31], [sflag:$0x1] =	stream.indirect_vreg.gather [hbm4b:s2+s3], $0x80, v3, vm0, $0xb8;
	[tilespmem:$0x14680] =	vst v63  }
0xc8: {  	s31 =	simm.s32 $0x1E80  }
0xc9: {  	[tilespmem:s31], [sflag:$0x1] =	stream.indirect_vreg.gather [hbm4b:s5+s3], $0x80, v3, vm0, $0xb8;
	[tilespmem:$0x14680] =	vst v63  }
0xca: {  	v3 =	vld [tilespmem:s26+$0xFFFFFF80];
	_ =	sdelay $0x4  }
0xcb: {  	v60 =	vshll.u32 v3, $0x2  }
0xcc: {  	v3 =	vand.u32 $0x7, v3;
	v4 =	vand.u32 $0xFFFFFFE0, v60  }
0xcd: {  	v3 =	vor.u32 v3, v4  }
0xce: {  	v4 =	vperm.xlane v3, v0;
	_ =	sdelay $0x1  }
0xcf: {  	v4 =	vadd.s32 v1, v4;
	_ =	sdelay $0x1  }
0xd0: {  	v3 =	vperm.xlane v3, v2;
	_ =	sdelay $0x1  }
0xd1: {  	s31 =	simm.s32 $0x2680;
	v3 =	vadd.s32 v1, v3  }
0xd2: {  	[tilespmem:s31], [sflag:$0x1] =	stream.indirect_vreg.gather [hbm4b:s2+s3], $0x80, v4, vm0, $0xb8;
	[tilespmem:$0x14680] =	vst v63  }
0xd3: {  	s31 =	simm.s32 $0x2E80  }
0xd4: {  	[tilespmem:s31], [sflag:$0x1] =	stream.indirect_vreg.gather [hbm4b:s5+s3], $0x80, v4, vm0, $0xb8;
	[tilespmem:$0x14680] =	vst v63  }
0xd5: {  	s31 =	simm.s32 $0x3680  }
0xd6: {  	[tilespmem:s31], [sflag:$0x1] =	stream.indirect_vreg.gather [hbm4b:s2+s3], $0x80, v3, vm0, $0xb8;
	[tilespmem:$0x14680] =	vst v63  }
0xd7: {  	s31 =	simm.s32 $0x3E80  }
0xd8: {  	[tilespmem:s31], [sflag:$0x1] =	stream.indirect_vreg.gather [hbm4b:s5+s3], $0x80, v3, vm0, $0xb8;
	[tilespmem:$0x14680] =	vst v63  }
0xd9: {  	v3 =	vld [tilespmem:s26+$0xFFFFFF90];
	_ =	sdelay $0x4  }
0xda: {  	v61 =	vshll.u32 v3, $0x2  }
0xdb: {  	v3 =	vand.u32 $0x7, v3;
	v4 =	vand.u32 $0xFFFFFFE0, v61  }
0xdc: {  	v3 =	vor.u32 v3, v4  }
0xdd: {  	v4 =	vperm.xlane v3, v0;
	_ =	sdelay $0x1  }
0xde: {  	v4 =	vadd.s32 v1, v4;
	_ =	sdelay $0x1  }
0xdf: {  	v3 =	vperm.xlane v3, v2;
	_ =	sdelay $0x1  }
0xe0: {  	s31 =	simm.s32 $0x4680;
	v3 =	vadd.s32 v1, v3  }
0xe1: {  	[tilespmem:s31], [sflag:$0x1] =	stream.indirect_vreg.gather [hbm4b:s2+s3], $0x80, v4, vm0, $0xb8;
	[tilespmem:$0x14680] =	vst v63  }
0xe2: {  	s31 =	simm.s32 $0x4E80  }
0xe3: {  	[tilespmem:s31], [sflag:$0x1] =	stream.indirect_vreg.gather [hbm4b:s5+s3], $0x80, v4, vm0, $0xb8;
	[tilespmem:$0x14680] =	vst v63  }
0xe4: {  	s31 =	simm.s32 $0x5680  }
0xe5: {  	[tilespmem:s31], [sflag:$0x1] =	stream.indirect_vreg.gather [hbm4b:s2+s3], $0x80, v3, vm0, $0xb8;
	[tilespmem:$0x14680] =	vst v63  }
0xe6: {  	s31 =	simm.s32 $0x5E80  }
0xe7: {  	[tilespmem:s31], [sflag:$0x1] =	stream.indirect_vreg.gather [hbm4b:s5+s3], $0x80, v3, vm0, $0xb8;
	[tilespmem:$0x14680] =	vst v63  }
0xe8: {  	v3 =	vld [tilespmem:s26+$0xFFFFFFA0];
	_ =	sdelay $0x4  }
0xe9: {  	v62 =	vshll.u32 v3, $0x2  }
0xea: {  	v3 =	vand.u32 $0x7, v3;
	v4 =	vand.u32 $0xFFFFFFE0, v62  }
0xeb: {  	v3 =	vor.u32 v3, v4  }
0xec: {  	v4 =	vperm.xlane v3, v0;
	_ =	sdelay $0x1  }
0xed: {  	v4 =	vadd.s32 v1, v4;
	_ =	sdelay $0x1  }
0xee: {  	v3 =	vperm.xlane v3, v2;
	_ =	sdelay $0x1  }
0xef: {  	s31 =	simm.s32 $0x6680;
	v3 =	vadd.s32 v1, v3  }
0xf0: {  	[tilespmem:s31], [sflag:$0x1] =	stream.indirect_vreg.gather [hbm4b:s2+s3], $0x80, v4, vm0, $0xb8;
	[tilespmem:$0x14680] =	vst v63  }
0xf1: {  	s31 =	simm.s32 $0x6E80  }
0xf2: {  	[tilespmem:s31], [sflag:$0x1] =	stream.indirect_vreg.gather [hbm4b:s5+s3], $0x80, v4, vm0, $0xb8;
	[tilespmem:$0x14680] =	vst v63  }
0xf3: {  	s31 =	simm.s32 $0x7680  }
0xf4: {  	[tilespmem:s31], [sflag:$0x1] =	stream.indirect_vreg.gather [hbm4b:s2+s3], $0x80, v3, vm0, $0xb8;
	[tilespmem:$0x14680] =	vst v63  }
0xf5: {  	s31 =	simm.s32 $0x7E80  }
0xf6: {  	[tilespmem:s31], [sflag:$0x1] =	stream.indirect_vreg.gather [hbm4b:s5+s3], $0x80, v3, vm0, $0xb8;
	[tilespmem:$0x14680] =	vst v63  }
0xf7: {  	v3 =	vld [tilespmem:s26+$0xFFFFFFB0];
	_ =	sdelay $0x4  }
0xf8: {  	v63 =	vshll.u32 v3, $0x2  }
0xf9: {  	v3 =	vand.u32 $0x7, v3;
	v4 =	vand.u32 $0xFFFFFFE0, v63  }
0xfa: {  	v3 =	vor.u32 v3, v4  }
0xfb: {  	v4 =	vperm.xlane v3, v0;
	_ =	sdelay $0x1  }
0xfc: {  	v4 =	vadd.s32 v1, v4;
	_ =	sdelay $0x1  }
0xfd: {  	v3 =	vperm.xlane v3, v2;
	_ =	sdelay $0x1  }
0xfe: {  	s31 =	simm.s32 $0x8680;
	v3 =	vadd.s32 v1, v3  }
0xff: {  	[tilespmem:s31], [sflag:$0x1] =	stream.indirect_vreg.gather [hbm4b:s2+s3], $0x80, v4, vm0, $0xb8;
	[tilespmem:$0x14680] =	vst v63  }
0x100: {  	s31 =	simm.s32 $0x8E80  }
0x101: {  	[tilespmem:s31], [sflag:$0x1] =	stream.indirect_vreg.gather [hbm4b:s5+s3], $0x80, v4, vm0, $0xb8;
	[tilespmem:$0x14680] =	vst v63  }
0x102: {  	s31 =	simm.s32 $0x9680  }
0x103: {  	[tilespmem:s31], [sflag:$0x1] =	stream.indirect_vreg.gather [hbm4b:s2+s3], $0x80, v3, vm0, $0xb8;
	[tilespmem:$0x14680] =	vst v63  }
0x104: {  	s31 =	simm.s32 $0x9E80  }
0x105: {  	[tilespmem:s31], [sflag:$0x1] =	stream.indirect_vreg.gather [hbm4b:s5+s3], $0x80, v3, vm0, $0xb8;
	[tilespmem:$0x14680] =	vst v63  }
0x106: {  	s31 =	simm.s32 $0xAE80  }
.LBB2_4:
0x107: {  	_ =	swait.ge [sflag:s25], $0xA000  }
0x108: {  	[sflag:s25] =	ssyncset.done $0x0  }
.Ltmp3:
0x109: {  	s29 =	sadd.s32 $0x1400, s29;
	[sflag:s25] =	ssyncadd.s32 $0xFFFF6000;
	(pc) =	sbr.rel @p0 .LBB2_6-.Ltmp3, $4  }
0x10a: {  	[hbm4b:s29+s3] =	stream.linear.scatter [tilespmem:s30], [sflag:$0x3], $0xA000, $0x38;
	[tilespmem:$0x14680] =	vst v63  }
0x10b: {  	_ =	swait.ge [sflag:s8], $0xA000  }
0x10c: {  	[sflag:s8] =	ssyncset.done $0x0  }
0x10d: {  	[sflag:s8] =	ssyncadd.s32 $0xFFFF6000  }
0x10e: {  	v3 =	vld [tilespmem:s26+$0xFFFFFFC0];
	_ =	sdelay $0x4  }
0x10f: {  	v4 =	vshll.u32 v3, $0x2  }
0x110: {  	v3 =	vand.u32 $0x7, v3;
	v4 =	vand.u32 $0xFFFFFFE0, v4  }
0x111: {  	v3 =	vor.u32 v3, v4  }
0x112: {  	v4 =	vperm.xlane v3, v0;
	_ =	sdelay $0x1  }
0x113: {  	v4 =	vadd.s32 v1, v4;
	_ =	sdelay $0x1  }
0x114: {  	v3 =	vperm.xlane v3, v2;
	_ =	sdelay $0x1  }
0x115: {  	v3 =	vadd.s32 v1, v3  }
0x116: {  	[tilespmem:s30], [sflag:$0x2] =	stream.indirect_vreg.gather [hbm4b:s2+s3], $0x80, v4, vm0, $0xb8;
	[tilespmem:$0x14680] =	vst v63  }
0x117: {  	_ = 	snop  }
0x118: {  	[tilespmem:s31], [sflag:$0x2] =	stream.indirect_vreg.gather [hbm4b:s5+s3], $0x80, v4, vm0, $0xb8;
	[tilespmem:$0x14680] =	vst v63  }
0x119: {  	_ = 	snop  }
0x11a: {  	[tilespmem:s1], [sflag:$0x2] =	stream.indirect_vreg.gather [hbm4b:s2+s3], $0x80, v3, vm0, $0xb8;
	[tilespmem:$0x14680] =	vst v63  }
0x11b: {  	_ = 	snop  }
0x11c: {  	[tilespmem:s0], [sflag:$0x2] =	stream.indirect_vreg.gather [hbm4b:s5+s3], $0x80, v3, vm0, $0xb8;
	[tilespmem:$0x14680] =	vst v63  }
0x11d: {  	v3 =	vld [tilespmem:s26+$0xFFFFFFD0];
	_ =	sdelay $0x4  }
0x11e: {  	v60 =	vshll.u32 v3, $0x2  }
0x11f: {  	v3 =	vand.u32 $0x7, v3;
	v4 =	vand.u32 $0xFFFFFFE0, v60  }
0x120: {  	v3 =	vor.u32 v3, v4  }
0x121: {  	v4 =	vperm.xlane v3, v0;
	_ =	sdelay $0x1  }
0x122: {  	v4 =	vadd.s32 v1, v4;
	_ =	sdelay $0x1  }
0x123: {  	v3 =	vperm.xlane v3, v2;
	_ =	sdelay $0x1  }
0x124: {  	v3 =	vadd.s32 v1, v3  }
0x125: {  	[tilespmem:s4], [sflag:$0x2] =	stream.indirect_vreg.gather [hbm4b:s2+s3], $0x80, v4, vm0, $0xb8;
	[tilespmem:$0x14680] =	vst v63  }
0x126: {  	_ = 	snop  }
0x127: {  	[tilespmem:s6], [sflag:$0x2] =	stream.indirect_vreg.gather [hbm4b:s5+s3], $0x80, v4, vm0, $0xb8;
	[tilespmem:$0x14680] =	vst v63  }
0x128: {  	_ = 	snop  }
0x129: {  	[tilespmem:s10], [sflag:$0x2] =	stream.indirect_vreg.gather [hbm4b:s2+s3], $0x80, v3, vm0, $0xb8;
	[tilespmem:$0x14680] =	vst v63  }
0x12a: {  	_ = 	snop  }
0x12b: {  	[tilespmem:s11], [sflag:$0x2] =	stream.indirect_vreg.gather [hbm4b:s5+s3], $0x80, v3, vm0, $0xb8;
	[tilespmem:$0x14680] =	vst v63  }
0x12c: {  	v3 =	vld [tilespmem:s26+$0xFFFFFFE0];
	_ =	sdelay $0x4  }
0x12d: {  	v61 =	vshll.u32 v3, $0x2  }
0x12e: {  	v3 =	vand.u32 $0x7, v3;
	v4 =	vand.u32 $0xFFFFFFE0, v61  }
0x12f: {  	v3 =	vor.u32 v3, v4  }
0x130: {  	v4 =	vperm.xlane v3, v0;
	_ =	sdelay $0x1  }
0x131: {  	v4 =	vadd.s32 v1, v4;
	_ =	sdelay $0x1  }
0x132: {  	v3 =	vperm.xlane v3, v2;
	_ =	sdelay $0x1  }
0x133: {  	v3 =	vadd.s32 v1, v3  }
0x134: {  	[tilespmem:s12], [sflag:$0x2] =	stream.indirect_vreg.gather [hbm4b:s2+s3], $0x80, v4, vm0, $0xb8;
	[tilespmem:$0x14680] =	vst v63  }
0x135: {  	_ = 	snop  }
0x136: {  	[tilespmem:s13], [sflag:$0x2] =	stream.indirect_vreg.gather [hbm4b:s5+s3], $0x80, v4, vm0, $0xb8;
	[tilespmem:$0x14680] =	vst v63  }
0x137: {  	_ = 	snop  }
0x138: {  	[tilespmem:s14], [sflag:$0x2] =	stream.indirect_vreg.gather [hbm4b:s2+s3], $0x80, v3, vm0, $0xb8;
	[tilespmem:$0x14680] =	vst v63  }
0x139: {  	_ = 	snop  }
0x13a: {  	[tilespmem:s15], [sflag:$0x2] =	stream.indirect_vreg.gather [hbm4b:s5+s3], $0x80, v3, vm0, $0xb8;
	[tilespmem:$0x14680] =	vst v63  }
0x13b: {  	v3 =	vld [tilespmem:s26+$0xFFFFFFF0];
	_ =	sdelay $0x4  }
0x13c: {  	v62 =	vshll.u32 v3, $0x2  }
0x13d: {  	v3 =	vand.u32 $0x7, v3;
	v4 =	vand.u32 $0xFFFFFFE0, v62  }
0x13e: {  	v3 =	vor.u32 v3, v4  }
0x13f: {  	v4 =	vperm.xlane v3, v0;
	_ =	sdelay $0x1  }
0x140: {  	v4 =	vadd.s32 v1, v4;
	_ =	sdelay $0x1  }
0x141: {  	v3 =	vperm.xlane v3, v2;
	_ =	sdelay $0x1  }
0x142: {  	v3 =	vadd.s32 v1, v3  }
0x143: {  	[tilespmem:s16], [sflag:$0x2] =	stream.indirect_vreg.gather [hbm4b:s2+s3], $0x80, v4, vm0, $0xb8;
	[tilespmem:$0x14680] =	vst v63  }
0x144: {  	_ = 	snop  }
0x145: {  	[tilespmem:s17], [sflag:$0x2] =	stream.indirect_vreg.gather [hbm4b:s5+s3], $0x80, v4, vm0, $0xb8;
	[tilespmem:$0x14680] =	vst v63  }
0x146: {  	_ = 	snop  }
0x147: {  	[tilespmem:s18], [sflag:$0x2] =	stream.indirect_vreg.gather [hbm4b:s2+s3], $0x80, v3, vm0, $0xb8;
	[tilespmem:$0x14680] =	vst v63  }
0x148: {  	_ = 	snop  }
0x149: {  	[tilespmem:s19], [sflag:$0x2] =	stream.indirect_vreg.gather [hbm4b:s5+s3], $0x80, v3, vm0, $0xb8;
	[tilespmem:$0x14680] =	vst v63  }
0x14a: {  	v3 =	vld [tilespmem:s26+$0x0];
	_ =	sdelay $0x4  }
0x14b: {  	v63 =	vshll.u32 v3, $0x2  }
0x14c: {  	v3 =	vand.u32 $0x7, v3;
	v4 =	vand.u32 $0xFFFFFFE0, v63  }
0x14d: {  	v3 =	vor.u32 v3, v4  }
0x14e: {  	v4 =	vperm.xlane v3, v0;
	_ =	sdelay $0x1  }
0x14f: {  	v4 =	vadd.s32 v1, v4;
	_ =	sdelay $0x2  }
0x150: {  	v3 =	vperm.xlane v3, v2;
	_ =	sdelay $0x1  }
0x151: {  	v3 =	vadd.s32 v1, v3;
	[tilespmem:s20], [sflag:$0x2] =	stream.indirect_vreg.gather [hbm4b:s2+s3], $0x80, v4, vm0, $0xb8;
	[tilespmem:$0x14680] =	vst v63  }
0x152: {  	_ = 	snop  }
0x153: {  	[tilespmem:s21], [sflag:$0x2] =	stream.indirect_vreg.gather [hbm4b:s5+s3], $0x80, v4, vm0, $0xb8;
	[tilespmem:$0x14680] =	vst v63  }
.Ltmp4:
0x154: {  	_ = 	snop;
	(pc) =	sbr.rel .LBB2_2-.Ltmp4, $4  }
0x155: {  	_ = 	snop  }
0x156: {  	[tilespmem:s22], [sflag:$0x2] =	stream.indirect_vreg.gather [hbm4b:s2+s3], $0x80, v3, vm0, $0xb8;
	[tilespmem:$0x14680] =	vst v63  }
0x157: {  	s28 =	sadd.s32 $0x2800, s28;
	s26 =	sadd.s32 $0xA0, s26  }
0x158: {  	[tilespmem:s23], [sflag:$0x2] =	stream.indirect_vreg.gather [hbm4b:s5+s3], $0x80, v3, vm0, $0xb8;
	[tilespmem:$0x14680] =	vst v63  }
.LBB2_7:
0x159: {  	_ =	sfence.sel $0x180000  }
0x15a: {  	[bflag:$0x0] =	sbarrier.arrive $0xFFFF  }
0x15b: {  	_ =	strace $0x90000047  }
0x15c: {  	s0 =	stileid.u32;
	[bflag:$0x2] =	sbarrier.arrive $0xFFFF  }
0x15d: {  	p0 =	sne.s32 s0, $0x0;
	s0 =	rddreg [dreg:$0x2]  }
0x15e: {  	s0 =	sadd.s32 @!p0 $0x100000, s0  }
0x15f: {  	[sflag:s0] =	ssyncadd.tile.s32 @!p0 $0x1;
	_ =	shalt  }
.Lfunc_end2:
_tile_overlayer_lowered:
.L_overlay_start_2:
0x160: {  	(tag) =	ssettag $0x2  }
0x161: {  	s0 =	rddreg [dreg:$0x0];
	s2 =	stileid.u32  }
0x162: {  	s1 =	rddreg [dreg:$0x1];
	p0 =	sne.s32 s2, $0x0  }
0x163: {  	s3 =	rddreg [dreg:$0x2];
	[bflag:$0x3] =	sbarrier.arrive $0xFFFF;
	s2 =	simm.s32 @!p0 $0x1C03  }
0x164: {  	[timem:s3], [sflag:s2] =	dma.local @!p0 [hbm:s0], s1  }
0x165: {  	s0 =	simm.s32 @!p0 $0x3  }
0x166: {  	_ =	swait.ge @!p0 [sflag:s0], s1  }
0x167: {  	s1 =	ssub.s32 @!p0 $0x0, s1;
	[sflag:s0] =	ssyncset.done @!p0 $0x0  }
0x168: {  	[sflag:s0] =	ssyncadd.s32 @!p0 s1  }
0x169: {  	[bflag:$0x3] =	sbarrier.arrive $0xFFFF  }
0x16a: {  	_ =	shalt  }

// kernel: sparse-core-data-format-call.cloned.1.call-start
scs
called_computation_lowered:
.L_overlay_start_0:
0x0: {  	s2 =	sld [smem:$0x3FD9]  }
0x1: {  	s3 =	sld [smem:$0x3FFE];
	_ =	sdelay $0x1  }
0x2: {  	s1 =	srdreg.scid  }
0x3: {  	s0 =	sand.u32 $0x1, s1  }
0x4: {  	s18 =	sshll.u32 s0, $0xA;
	s2 =	sadd.s32 s3, s2  }
0x5: {  	s2 =	sadd.s32 s2, s18  }
0x6: {  	[smem:$0x3FC6] =	sst s2  }
0x7: {  	_ = 	snop  }
0x8: {  	s2 =	sld [smem:$0x3FD0];
	(tm) =	ssettm $0x1  }
0x9: {  	s19 =	sld [smem:$0x3FFB];
	_ =	sdelay $0x3  }
0xa: {  	_ =	strace s19  }
0xb: {  	s3 =	sld [smem:$0x3FFC];
	_ =	sdelay $0x3  }
0xc: {  	_ =	strace s3  }
0xd: {  	s3 =	sld [smem:$0x3FFD];
	_ =	sdelay $0x3  }
0xe: {  	_ =	strace s3  }
0xf: {  	_ =	strace $0x8FFFFFFF  }
0x10: {  	s20 =	sld [smem:$0x3FDB];
	_ =	sdelay $0x1  }
0x11: {  	s4 =	simm.s32 $_scs_section_size  }
0x12: {  	s5 =	simm.s32 $_size__tile_overlayer_lowered;
	s6 =	simm.s32 $_tile_overlayer_lowered  }
0x13: {  	s23 =	simm.s32 $0x1BFF;
	s22 =	sshll.u32 s6, $0x1;
	s3 =	sadd.s32 s4, s20  }
0x14: {  	s7 =	simm.s32 $0x0;
	s21 =	sshll.u32 s5, $0x1;
	s5 =	sadd.s32 s22, s3  }
0x15: {  	[timem:s7], [sflag:s23] =	dma.local [hbm:s5], s21  }
0x16: {  	_ =	swait.ge [sflag:s23], s21  }
0x17: {  	s4 =	ssub.s32 $0x0, s21;
	[sflag:s23] =	ssyncset.done $0x0  }
0x18: {  	[sflag:s23] =	ssyncadd.s32 s4;
	_ =	sdelay $0x1  }
0x19: {  	s24 =	simm.s32 $0x1B8B  }
0x1a: {  	_ =	swait.ge [sflag:s24], $0x1  }
0x1b: {  	[sflag:s24] =	ssyncset.done $0x0  }
0x1c: {  	s26 =	simm.s32 $0x1B8E;
	s25 =	sld [smem:$0x3FFE];
	[sflag:s24] =	ssyncadd.s32 $0xFFFFFFFF  }
0x1d: {  	s27 =	simm.s32 $execute0_lowered;
	[smem:$0x3FD2] =	sst s26  }
0x1e: {  	s5 =	sshll.u32 s27, $0x1;
	_ =	strace $0x80000049;
	[dreg:$0x1] =	wrdreg $0xFFFFFFFF  }
0x1f: {  	s28 =	simm.s32 $_size_execute0_lowered;
	s3 =	sadd.s32 s3, s5;
	[dreg:$0x0] =	wrdreg $0x0  }
0x20: {  	s5 =	sshll.u32 s28, $0x1;
	[dreg:$0x2] =	wrdreg s3  }
0x21: {  	[dreg:$0x3] =	wrdreg s5  }
0x22: {  	[dreg:$0x4] =	wrdreg $0xC0  }
0x23: {  	_ =	task [dreg:s7], $0x5FFFF  }
0x24: {  	[dreg:$0x1] =	wrdreg $0xFFFFFFFF  }
0x25: {  	[dreg:$0x0] =	wrdreg $0x60  }
0x26: {  	[dreg:$0x2] =	wrdreg s25  }
0x27: {  	[dreg:$0x3] =	wrdreg s2  }
0x28: {  	[dreg:$0x4] =	wrdreg $0x9  }
0x29: {  	_ =	task.clear_ibuf [dreg:s7], $0x5FFFF;
	_ =	strace $0x90000049  }
0x2a: {  	s29 =	simm.s32 $0x9;
	_ =	strace $0x8000004B  }
0x2b: {  	_ =	swait.ge [sflag:s29], $0x1  }
0x2c: {  	[sflag:s29] =	ssyncadd.s32 $0xFFFFFFFF  }
0x2d: {  	_ =	strace $0x9000004B  }
0x2e: {  	_ =	sfence  }
0x2f: {  	s30 =	sld [smem:$0x0];
	_ =	sdelay $0x2  }
0x30: {  	s31 =	sshll.u32 s1, $0xD;
	s1 =	sshrl.u32 s1, $0x2  }
0x31: {  	s3 =	sand.u32 $0x4000, s31;
	s1 =	sadd.s32 s1, s30  }
0x32: {  	s0 =	sor.u32 s3, s0;
	s1 =	sshll.u32 s1, $0x11  }
0x33: {  	s0 =	sor.u32 s1, s0  }
0x34: {  	s0 =	sadd.s32 $0x8F2B, s0  }
0x35: {  	[sflag:s0] =	ssyncadd.remote.s32 $0x1  }
0x36: {  	_ =	sfence.sel $0xFFFF  }
0x37: {  	[dreg:$0x0] =	wrdreg $0xFFFFFFFF;
	(pc) =	sbr.abs _section_cstart, $3  }
0x38: {  	[dreg:$0x1] =	wrdreg $0xFFFFFFFF  }
0x39: {  	_ =	task.clear_ibuf [dreg:s7], $0x2FFFF;
	_ =	strace $0x9FFFFFFF  }
0x3a: {  	(tm) =	ssettm $0x7FFFFFFF  }
0x3b: {  	_ =	shalt  }
tec
execute0_lowered:
.L_overlay_start_1:
0x0: {  	(tag) =	ssettag $0x1  }
0x1: {  	s0 =	srdreg.scid  }
0x2: {  	s1 =	sshll.u32 s0, $0x4  }
0x3: {  	s6 =	rddreg [dreg:$0x0];
	s0 =	stileid.u32;
	s1 =	sand.u32 $0x10, s1  }
0x4: {  	s3 =	rddreg [dreg:$0x1];
	s1 =	sor.u32 s0, s1  }
0x5: {  	s5 =	simm.s32 $0x1;
	s31 =	simm.s32 $0x2;
	s2 =	sshll.u32 s1, $0x7  }
0x6: {  	s14 =	simm.s32 $0x0;
	s8 =	simm.s32 $0x1000;
	s4 =	ssub.s32 $0x1000, s2  }
0x7: {  	s9 =	simm.s32 $0x0;
	s15 =	simm.s32 $0x0;
	s30 =	sand.u32 $0xF80, s4  }
0x8: {  	s16 =	simm.s32 $0x0;
	s10 =	simm.s32 $0x0;
	p0 =	sne.s32 s30, $0x0  }
.Ltmp0:
0x9: {  	s7 =	sshrl.u32 s4, $0xC;
	s5 =	simm.s32 @!p0 $0x0;
	(pc) =	sbr.rel .LBB1_1-.Ltmp0, $4  }
0xa: {  	s11 =	simm.s32 $0x0;
	s1 =	rddreg [dreg:$0x2];
	s5 =	sadd.s32 s5, s7  }
0xb: {  	_ =	strace $0x8000004A;
	s4 =	simm.s32 $0x1;
	s5 =	smul.u32 $0xC8, s5  }
0xc: {  	s13 =	simm.s32 $0x0;
	s6 =	sadd.s32 $0x6A2800, s6;
	[sflag:s4] =	ssyncpa.u1 $0x0  }
0xd: {  	s12 =	smov.u32 s2;
	[sflag:s31] =	ssyncpa.u1 $0x0;
	s7 =	sor.u32 $0x1, s5  }
.LBB1_4:
0xe: {  	_ =	sdelay $0x3  }
0xf: {  	[tilespmem:v0+s19+$0xFFFFFFD0 ss:$0x1] =	vst.idx.msk $0xffff, v6  }
0x10: {  	v56 =	vld.idx.msk [tilespmem:v1+s18+$0x0 ss:$0x1], $0xffff;
	[tilespmem:v0+s19+$0xFFFFFFE0 ss:$0x1] =	vst.idx.msk $0xffff, v4  }
0x11: {  	v57 =	vld.idx.msk [tilespmem:v1+s18+$0xFFFFFF90 ss:$0x1], $0xffff;
	[tilespmem:v0+s19+$0xFFFFFFF0 ss:$0x1] =	vst.idx.msk $0xffff, v2  }
0x12: {  	v58 =	vld.idx.msk [tilespmem:v1+s18+$0xFFFFFFA0 ss:$0x1], $0xffff;
	[tilespmem:v0+s19+$0x0 ss:$0x1] =	vst.idx.msk $0xffff, v3  }
0x13: {  	v59 =	vld.idx.msk [tilespmem:v1+s18+$0xFFFFFFB0 ss:$0x1], $0xffff;
	[tilespmem:v0+s19+$0x10 ss:$0x1] =	vst.idx.msk $0xffff, v5  }
0x14: {  	v60 =	vld.idx.msk [tilespmem:v1+s18+$0xFFFFFFC0 ss:$0x1], $0xffff;
	[tilespmem:v0+s19+$0x20 ss:$0x1] =	vst.idx.msk $0xffff, v7  }
0x15: {  	v61 =	vld.idx.msk [tilespmem:v1+s18+$0xFFFFFFD0 ss:$0x1], $0xffff;
	s27 =	sshll.u32 s16, $0x9;
	[tilespmem:v0+s18+$0x30 ss:$0x1] =	vst.idx.msk $0xffff, v56  }
0x16: {  	s20 =	sshll.u32 s14, $0x3;
	v62 =	vld.idx.msk [tilespmem:v1+s18+$0xFFFFFFE0 ss:$0x1], $0xffff;
	s28 =	sshll.u32 s16, $0x7;
	s30 =	sand.u32 $0x78, s14;
	[tilespmem:v0+s18+$0xFFFFFFC0 ss:$0x1] =	vst.idx.msk $0xffff, v57  }
0x17: {  	v63 =	vld.idx.msk [tilespmem:v1+s18+$0xFFFFFFF0 ss:$0x1], $0xffff;
	s15 =	sshll.u32 s15, $0x12;
	s19 =	sand.u32 $0x1FF000, s27;
	s20 =	sand.u32 $0x1FFC00, s20;
	[tilespmem:v0+s18+$0xFFFFFFD0 ss:$0x1] =	vst.idx.msk $0xffff, v58  }
0x18: {  	s29 =	sand.u32 $0x200, s28;
	s16 =	sand.u32 $0x180, s28;
	s19 =	sadd.s32 s19, s20;
	[tilespmem:v0+s18+$0xFFFFFFE0 ss:$0x1] =	vst.idx.msk $0xffff, v59  }
0x19: {  	s31 =	sand.u32 $0x7, s14;
	s16 =	sor.u32 s16, s30;
	s19 =	sor.u32 s29, s19;
	[tilespmem:v0+s18+$0xFFFFFFF0 ss:$0x1] =	vst.idx.msk $0xffff, v60  }
0x1a: {  	s15 =	sadd.s32 s3, s15;
	s16 =	sshrl.u32 s16, $0x3;
	s19 =	sshrl.u32 s19, $0x3;
	[tilespmem:v0+s18+$0x0 ss:$0x1] =	vst.idx.msk $0xffff, v61  }
0x1b: {  	s14 =	sshll.u32 s31, $0x12;
	s15 =	sadd.s32 s16, s15;
	[tilespmem:v0+s18+$0x10 ss:$0x1] =	vst.idx.msk $0xffff, v62;
	s19 =	sand.u32 $0x3FFC0, s19  }
0x1c: {  	s14 =	sor.u32 $0x400, s14;
	[tilespmem:v0+s18+$0x20 ss:$0x1] =	vst.idx.msk $0xffff, v63;
	s15 =	sadd.s32 s19, s15  }
0x1d: {  	[hbm4b:s15+s14] =	stream.strided.scatter [tilespmem:s17], [sflag:$0x2], $0x4000, s8, s14, $0x38;
	[tilespmem:$0x10000] =	vst v63  }
.LBB1_5:
0x1e: {  	s17 =	sadd.s32 $0x80, s10  }
0x1f: {  	s14 =	simm.s32 $0x1;
	p1 =	sgt.s32 s17, $0x1FF  }
0x20: {  	s14 =	simm.s32 @!p1 $0x0  }
0x21: {  	s18 =	sadd.s32 s14, s11  }
0x22: {  	s20 =	smov.u32 s12;
	s14 =	sadd.s32 $0x1000, s12;
	p2 =	sgt.s32 s18, $0x31  }
0x23: {  	s20 =	smov.u32 @p2 s14  }
0x24: {  	p0 =	slt.u32 s13, $0x2;
	s17 =	simm.s32 @p1 $0x0;
	p1 =	sgt.s32 s20, $0xFFF  }
0x25: {  	s19 =	simm.s32 @!p0 $0x2;
	s20 =	smov.u32 @p1 s2;
	p1 =	sne.s32 s13, s7  }
.Ltmp1:
0x26: {  	_ =	swait.ge @!p0 [sflag:s19], $0x4000;
	(pc) =	sbr.rel @!p1 .LBB1_6-.Ltmp1, $4  }
0x27: {  	s15 =	smov.u32 s11;
	[sflag:s19] =	ssyncset.done @!p0 $0x0  }
0x28: {  	s16 =	smov.u32 s12;
	s9 =	sadd.s32 $0x4000, s9;
	[sflag:s19] =	ssyncadd.s32 @!p0 $0xFFFFC000  }
0x29: {  	s18 =	simm.s32 @p2 $0x0;
	s14 =	smov.u32 s10;
	s10 =	smov.u32 s17  }
0x2a: {  	s11 =	smov.u32 s18;
	s13 =	sadd.s32 $0x1, s13;
	s12 =	smov.u32 s20  }
.LBB1_1:
0x2b: {  	p0 =	sge.u32 s13, s5  }
0x2c: {  	s17 =	sshll.u32 @!p0 s11, $0x9;
	s18 =	sshll.u32 @!p0 s10, $0x3  }
0x2d: {  	s19 =	sshll.u32 @!p0 s11, $0x7;
	s17 =	sand.u32 @!p0 $0xFFFFF000, s17;
	s18 =	sand.u32 @!p0 $0xFFFFFC00, s18  }
0x2e: {  	s17 =	sadd.s32 @!p0 s17, s18;
	s18 =	sand.u32 @!p0 $0x200, s19  }
0x2f: {  	s17 =	sor.u32 @!p0 s18, s17  }
0x30: {  	s17 =	sshrl.u32 @!p0 s17, $0x9  }
0x31: {  	s31 =	sadd.s32 $0xFFFFFFFF, s13;
	s18 =	smulhi.u32 @!p0 $0x4924925, s17  }
0x32: {  	s20 =	sxor.u32 @!p0 $0xFFFFFFFF, s13;
	s21 =	sand.u32 @!p0 $0x78, s10;
	s22 =	smul.u32 @!p0 $0xE00, s12  }
0x33: {  	s20 =	sshll.u32 @!p0 s20, $0xE;
	s19 =	sand.u32 @!p0 $0x180, s19;
	s18 =	smul.u32 @!p0 $0x38, s18  }
0x34: {  	s20 =	sand.u32 @!p0 $0x4000, s20;
	s19 =	sor.u32 @!p0 s21, s19;
	s21 =	sand.u32 @!p0 $0x7, s10  }
0x35: {  	s17 =	ssub.s32 @!p0 s17, s18;
	s18 =	sshrl.u32 @!p0 s19, $0x3;
	s19 =	sadd.s32 @!p0 s6, s22  }
0x36: {  	s17 =	sshll.u32 @!p0 s17, $0x6;
	s18 =	sadd.s32 @!p0 s18, s19;
	s19 =	sshll.u32 @!p0 s21, $0x12  }
0x37: {  	s17 =	sadd.s32 @!p0 s17, s18;
	s18 =	sor.u32 @!p0 $0x80, s19;
	s19 =	simm.s32 @!p0 $0x7000  }
0x38: {  	[tilespmem:s20], [sflag:$0x1] =	stream.strided.gather @!p0 [hbm4b:s17+s18], $0x4000, s19, s18, $0x38;
	[tilespmem:$0x10000] =	vst v63  }
0x39: {  	p0 =	sge.u32 s31, s5  }
.Ltmp2:
0x3a: {  	_ = 	snop;
	(pc) =	sbr.rel @p0 .LBB1_5-.Ltmp2, $1  }
0x3b: {  	_ =	sdelay $0x3  }
0x3c: {  	s17 =	sand.u32 $0x4000, s9  }
0x3d: {  	s18 =	sor.u32 $0x70, s17  }
0x3e: {  	v1 =	vmov s18;
	_ =	sdelay $0x1  }
0x3f: {  	_ =	swait.ge [sflag:s4], $0x4000  }
0x40: {  	[sflag:s4] =	ssyncset.done $0x0  }
0x41: {  	s19 =	simm.s32 $0x0;
	[sflag:s4] =	ssyncadd.s32 $0xFFFFC000  }
0x42: {  	s17 =	sor.u32 $0x8040, s17;
	v7 =	vld.idx.msk [tilespmem:v1+s19+$0x0 ss:$0x1], $0xffff  }
0x43: {  	v0 =	vmov s17;
	v8 =	vld.idx.msk [tilespmem:v1+s19+$0xFFFFFF90 ss:$0x1], $0xffff  }
0x44: {  	v6 =	vld.idx.msk [tilespmem:v1+s19+$0xFFFFFFA0 ss:$0x1], $0xffff  }
0x45: {  	v4 =	vld.idx.msk [tilespmem:v1+s19+$0xFFFFFFB0 ss:$0x1], $0xffff  }
0x46: {  	v2 =	vld.idx.msk [tilespmem:v1+s19+$0xFFFFFFC0 ss:$0x1], $0xffff  }
0x47: {  	s31 =	sshll.u32 s13, $0xE;
	v3 =	vld.idx.msk [tilespmem:v1+s19+$0xFFFFFFD0 ss:$0x1], $0xffff  }
0x48: {  	s17 =	sand.u32 $0x4000, s31;
	v5 =	vld.idx.msk [tilespmem:v1+s19+$0xFFFFFFE0 ss:$0x1], $0xffff;
	[tilespmem:v0+s19+$0x30 ss:$0x1] =	vst.idx.msk $0xffff, v7  }
0x49: {  	s20 =	simm.s32 $0x400;
	s18 =	simm.s32 $0x80;
	s17 =	sor.u32 $0x8000, s17;
	[tilespmem:v0+s19+$0xFFFFFFC0 ss:$0x1] =	vst.idx.msk $0xffff, v8;
	v7 =	vld.idx.msk [tilespmem:v1+s19+$0xFFFFFFF0 ss:$0x1], $0xffff  }
.LBB1_3:
0x4a: {  	p0 =	sne.s32 s20, $0xFE00;
	v8 =	vld.idx.msk [tilespmem:v1+s18+$0x0 ss:$0x1], $0xffff;
	[tilespmem:v0+s19+$0xFFFFFFD0 ss:$0x1] =	vst.idx.msk $0xffff, v6  }
0x4b: {  	v9 =	vld.idx.msk [tilespmem:v1+s18+$0xFFFFFF90 ss:$0x1], $0xffff;
	[tilespmem:v0+s19+$0xFFFFFFE0 ss:$0x1] =	vst.idx.msk $0xffff, v4  }
0x4c: {  	v6 =	vld.idx.msk [tilespmem:v1+s18+$0xFFFFFFA0 ss:$0x1], $0xffff;
	[tilespmem:v0+s19+$0xFFFFFFF0 ss:$0x1] =	vst.idx.msk $0xffff, v2  }
.Ltmp3:
0x4d: {  	v4 =	vld.idx.msk [tilespmem:v1+s18+$0xFFFFFFB0 ss:$0x1], $0xffff;
	[tilespmem:v0+s19+$0x0 ss:$0x1] =	vst.idx.msk $0xffff, v3;
	(pc) =	sbr.rel @p0 .LBB1_3-.Ltmp3, $4  }
0x4e: {  	v2 =	vld.idx.msk [tilespmem:v1+s18+$0xFFFFFFC0 ss:$0x1], $0xffff;
	[tilespmem:v0+s19+$0x10 ss:$0x1] =	vst.idx.msk $0xffff, v5  }
0x4f: {  	v3 =	vld.idx.msk [tilespmem:v1+s18+$0xFFFFFFD0 ss:$0x1], $0xffff;
	[tilespmem:v0+s19+$0x20 ss:$0x1] =	vst.idx.msk $0xffff, v7;
	s19 =	smov.u32 s18  }
0x50: {  	v5 =	vld.idx.msk [tilespmem:v1+s19+$0xFFFFFFE0 ss:$0x1], $0xffff;
	[tilespmem:v0+s19+$0x30 ss:$0x1] =	vst.idx.msk $0xffff, v8  }
0x51: {  	s18 =	sshra.s32 s20, $0x2;
	s20 =	sadd.s32 $0x200, s20;
	[tilespmem:v0+s19+$0xFFFFFFC0 ss:$0x1] =	vst.idx.msk $0xffff, v9;
	v7 =	vld.idx.msk [tilespmem:v1+s19+$0xFFFFFFF0 ss:$0x1], $0xffff  }
.Ltmp4:
0x52: {  	_ = 	snop;
	(pc) =	sbr.rel .LBB1_4-.Ltmp4, $1  }
0x53: {  	_ =	sdelay $0x3  }
.LBB1_6:
0x54: {  	_ =	sfence.sel $0x180000  }
0x55: {  	s2 =	simm.s32 $0x1;
	[bflag:$0x0] =	sbarrier.arrive $0xFFFF  }
0x56: {  	s31 =	simm.s32 $0x2;
	[sflag:s2] =	ssyncpa.u1 $0x1  }
0x57: {  	[sflag:s31] =	ssyncpa.u1 $0x1  }
0x58: {  	p0 =	sne.s32 s0, $0x0;
	_ =	strace $0x9000004A  }
0x59: {  	s0 =	sadd.s32 @!p0 $0x100000, s1;
	[bflag:$0x2] =	sbarrier.arrive $0xFFFF  }
0x5a: {  	[sflag:s0] =	ssyncadd.tile.s32 @!p0 $0x1;
	_ =	shalt  }
.Lfunc_end1:
_tile_overlayer_lowered:
.L_overlay_start_2:
0x5b: {  	(tag) =	ssettag $0x2  }
0x5c: {  	s0 =	rddreg [dreg:$0x0];
	s2 =	stileid.u32  }
0x5d: {  	s1 =	rddreg [dreg:$0x1];
	p0 =	sne.s32 s2, $0x0  }
0x5e: {  	s3 =	rddreg [dreg:$0x2];
	[bflag:$0x3] =	sbarrier.arrive $0xFFFF;
	s2 =	simm.s32 @!p0 $0x1C01  }
0x5f: {  	[timem:s3], [sflag:s2] =	dma.local @!p0 [hbm:s0], s1  }
0x60: {  	s0 =	simm.s32 @!p0 $0x1  }
0x61: {  	_ =	swait.ge @!p0 [sflag:s0], s1  }
0x62: {  	s1 =	ssub.s32 @!p0 $0x0, s1;
	[sflag:s0] =	ssyncset.done @!p0 $0x0  }
0x63: {  	[sflag:s0] =	ssyncadd.s32 @!p0 s1  }
0x64: {  	[bflag:$0x3] =	sbarrier.arrive $0xFFFF  }
0x65: {  	_ =	shalt  }

</sc_bundles>
